<compile_context>
chip_gen: v7x
topology: tpu7x:2x2x1
jax: 0.10.2.dev20260603
libtpu: 0.0.44.dev20260713+nightly
codegen_flags: <defaults>
</compile_context>

<pallas_src>
import functools

import jax
import jax.numpy as jnp
from jax import lax
from jax.experimental import pallas as pl
from jax.experimental.pallas import tpu as pltpu
from jax.experimental.pallas import tpu_sc as plsc

NE = 64
DM = 768
DF = 1024
NT = 4096
TK = 2
NA = NT * TK

BM = 128
NB = NA // BM
TMAX = NB + NE - 1

NW = 32


def _sc_gather(x, sorted_tok):
    rows_per_w = NA // NW
    CH = 64
    mesh = plsc.VectorSubcoreMesh(core_axis_name="c", subcore_axis_name="s")

    @functools.partial(
        pl.kernel,
        mesh=mesh,
        out_type=jax.ShapeDtypeStruct((NA, DM), jnp.float32),
        scratch_types=[
            pltpu.VMEM((CH,), jnp.int32),
            pltpu.VMEM((CH, DM), jnp.float32),
            pltpu.SemaphoreType.DMA,
        ],
    )
    def k(x_hbm, idx_hbm, out_hbm, idx_v, rows_v, sem):
        wid = lax.axis_index("s") * 2 + lax.axis_index("c")
        base = wid * rows_per_w

        def chunk(c, carry):
            o = base + c * CH
            pltpu.sync_copy(idx_hbm.at[pl.ds(o, CH)], idx_v)
            pltpu.async_copy(x_hbm.at[idx_v], rows_v, sem).wait()
            pltpu.sync_copy(rows_v, out_hbm.at[pl.ds(o, CH)])
            return carry

        lax.fori_loop(0, rows_per_w // CH, chunk, None)

    return k(x, sorted_tok)


def _sc_combine(y, pos0, pos1):
    tok_per_w = NT // NW
    C = 32
    mesh = plsc.VectorSubcoreMesh(core_axis_name="c", subcore_axis_name="s")

    @functools.partial(
        pl.kernel,
        mesh=mesh,
        out_type=jax.ShapeDtypeStruct((NT, DM), jnp.float32),
        scratch_types=[
            pltpu.VMEM((C,), jnp.int32),
            pltpu.VMEM((C,), jnp.int32),
            pltpu.VMEM((C, DM), jnp.float32),
            pltpu.VMEM((C, DM), jnp.float32),
            pltpu.VMEM((C, DM), jnp.float32),
            pltpu.SemaphoreType.DMA,
            pltpu.SemaphoreType.DMA,
        ],
    )
    def k(y_hbm, p0_hbm, p1_hbm, out_hbm, i0, i1, r0, r1, ov, s0, s1):
        wid = lax.axis_index("s") * 2 + lax.axis_index("c")
        base = wid * tok_per_w

        def chunk(c, carry):
            o = base + c * C
            pltpu.sync_copy(p0_hbm.at[pl.ds(o, C)], i0)
            pltpu.sync_copy(p1_hbm.at[pl.ds(o, C)], i1)
            cp0 = pltpu.async_copy(y_hbm.at[i0], r0, s0)
            cp1 = pltpu.async_copy(y_hbm.at[i1], r1, s1)
            cp0.wait()
            cp1.wait()

            def per_tok(t, carry2):
                def per_vec(v, carry3):
                    sl = pl.ds(v * 16, 16)
                    ov[t, sl] = r0[t, sl] + r1[t, sl]
                    return carry3

                lax.fori_loop(0, DM // 16, per_vec, None)
                return carry2

            lax.fori_loop(0, C, per_tok, None)
            pltpu.sync_copy(ov, out_hbm.at[pl.ds(o, C)])
            return carry

        lax.fori_loop(0, tok_per_w // C, chunk, None)

    return k(y, pos0, pos1)


def _ffn_body(meta_ref, xs_ref, w1_ref, w2_ref, w3_ref, sw_ref, out_ref):
    i = pl.program_id(0)
    lo = meta_ref[2, i]
    hi = meta_ref[3, i]
    first = meta_ref[4, i]

    xb = xs_ref[...].astype(jnp.bfloat16)
    w1b = w1_ref[0].astype(jnp.bfloat16)
    w2b = w2_ref[0].astype(jnp.bfloat16)
    w3b = w3_ref[0].astype(jnp.bfloat16)
    g = jax.nn.silu(jnp.dot(xb, w1b, preferred_element_type=jnp.float32))
    v = jnp.dot(xb, w2b, preferred_element_type=jnp.float32)
    h = (g * v).astype(jnp.bfloat16)
    o = jnp.dot(h, w3b, preferred_element_type=jnp.float32)

    ridx = lax.broadcasted_iota(jnp.int32, (BM, 1), 0)
    keep = (ridx >= lo) & (ridx < hi)
    o = jnp.where(keep, o * sw_ref[...], 0.0)

    @pl.when(first == 1)
    def _():
        out_ref[...] = o

    @pl.when(first == 0)
    def _():
        out_ref[...] += o


def _tc_ffn(xs, w1, w2, w3, sw, meta):
    grid_spec = pltpu.PrefetchScalarGridSpec(
        num_scalar_prefetch=1,
        grid=(TMAX,),
        in_specs=[
            pl.BlockSpec((BM, DM), lambda i, m: (m[0, i], 0)),
            pl.BlockSpec((1, DM, DF), lambda i, m: (m[1, i], 0, 0)),
            pl.BlockSpec((1, DM, DF), lambda i, m: (m[1, i], 0, 0)),
            pl.BlockSpec((1, DF, DM), lambda i, m: (m[1, i], 0, 0)),
            pl.BlockSpec((BM, 1), lambda i, m: (m[0, i], 0)),
        ],
        out_specs=pl.BlockSpec((BM, DM), lambda i, m: (m[0, i], 0)),
    )
    return pl.pallas_call(
        _ffn_body,
        grid_spec=grid_spec,
        out_shape=jax.ShapeDtypeStruct((NA, DM), jnp.float32),
        compiler_params=pltpu.CompilerParams(
            dimension_semantics=("arbitrary",),
        ),
    )(meta, xs, w1, w2, w3, sw)


def kernel(x, expert_indices, expert_weights, w1, w2, w3):
    flat_e = expert_indices.reshape(-1)
    iota = jnp.arange(NA, dtype=jnp.int32)
    sorted_e, order = lax.sort_key_val(flat_e, iota)
    sorted_tok = (order // TK).astype(jnp.int32)
    _, inv = lax.sort_key_val(order, iota)
    eids = jnp.arange(NE, dtype=flat_e.dtype)
    starts = jnp.searchsorted(sorted_e, eids, side="left").astype(jnp.int32)
    ends = jnp.searchsorted(sorted_e, eids, side="right").astype(jnp.int32)

    blo = (jnp.arange(NB, dtype=jnp.int32) * BM)[:, None]
    s = starts[None, :].astype(jnp.int32)
    en = ends[None, :].astype(jnp.int32)
    hit = (s < blo + BM) & (en > blo)
    flat_hit = hit.reshape(-1)
    tile_idx = jnp.cumsum(flat_hit) - 1
    target = jnp.where(flat_hit, tile_idx, TMAX).astype(jnp.int32)

    bb = jnp.broadcast_to(jnp.arange(NB, dtype=jnp.int32)[:, None], (NB, NE))
    ee = jnp.broadcast_to(jnp.arange(NE, dtype=jnp.int32)[None, :], (NB, NE))
    lo = jnp.maximum(s - blo, 0).astype(jnp.int32)
    hi = jnp.minimum(en - blo, BM).astype(jnp.int32)

    block_a = jnp.full((TMAX,), NB - 1, jnp.int32).at[target].set(
        bb.reshape(-1), mode="drop")
    exp_a = jnp.full((TMAX,), NE - 1, jnp.int32).at[target].set(
        ee.reshape(-1), mode="drop")
    lo_a = jnp.zeros((TMAX,), jnp.int32).at[target].set(
        lo.reshape(-1), mode="drop")
    hi_a = jnp.zeros((TMAX,), jnp.int32).at[target].set(
        hi.reshape(-1), mode="drop")
    first_a = jnp.concatenate(
        [jnp.ones((1,), jnp.int32),
         (block_a[1:] != block_a[:-1]).astype(jnp.int32)])
    meta = jnp.stack([block_a, exp_a, lo_a, hi_a, first_a])

    sw = expert_weights.reshape(-1)[order].reshape(NA, 1)

    xs = _sc_gather(x, sorted_tok)
    y = _tc_ffn(xs, w1, w2, w3, sw, meta)

    pos = inv.reshape(NT, TK)
    out = _sc_combine(y, pos[:, 0], pos[:, 1])
    return out

# --- scband reference (transcript-rebuilt; emitter-appended) ---
"""Pipeline reference for scband-optimized-grouped-experts-18451179504175 (READ-ONLY COPY).

The authoritative reference and input builder live on the scoring server;
editing this copy changes nothing except your own understanding.
"""

import jax, jax.numpy as jnp
import numpy as np

N_EXPERTS = 64
D_MODEL = 768
D_FF = 1024
N_TOKENS = 4096
TOP_K = 2


def _trunc_normal(key, shape, fan_in):
    std = (1.0 / 3.0) ** 0.5 / (fan_in ** 0.5)
    return jax.random.truncated_normal(key, -2.0, 2.0, shape, dtype=jnp.float32) * std


def setup_inputs(seed: int = 0) -> dict:
    key = jax.random.key(seed)
    k1, k2, k3, k4, k5, k6 = jax.random.split(key, 6)
    x = jax.random.normal(k1, (N_TOKENS, D_MODEL), dtype=jnp.float32)
    expert_indices = jax.random.randint(k2, (N_TOKENS, TOP_K), 0, N_EXPERTS, dtype=jnp.int32)
    expert_weights = jax.random.uniform(k3, (N_TOKENS, TOP_K), dtype=jnp.float32)
    w1 = _trunc_normal(k4, (N_EXPERTS, D_MODEL, D_FF), D_MODEL)
    w2 = _trunc_normal(k5, (N_EXPERTS, D_MODEL, D_FF), D_MODEL)
    w3 = _trunc_normal(k6, (N_EXPERTS, D_FF, D_MODEL), D_FF)
    return {"x": x, "expert_indices": expert_indices, "expert_weights": expert_weights, "w1": w1, "w2": w2, "w3": w3}


def reference(x, expert_indices, expert_weights, w1, w2, w3):
    n_tokens = x.shape[0]
    top_k = expert_indices.shape[1]
    flat_experts = expert_indices.reshape(-1)
    flat_weights = expert_weights.reshape(-1)
    token_indices = jnp.repeat(jnp.arange(n_tokens), top_k)
    sorted_order = jnp.argsort(flat_experts, stable=True)
    sorted_token_idx = token_indices[sorted_order]
    sorted_expert_ids = flat_experts[sorted_order]
    sorted_weights = flat_weights[sorted_order]
    sorted_inputs = x[sorted_token_idx]
    total_assignments = sorted_inputs.shape[0]
    expert_counts = jnp.bincount(flat_experts, length=N_EXPERTS)
    max_count = total_assignments
    seg_ends = jnp.cumsum(expert_counts)
    seg_starts = jnp.concatenate([jnp.zeros((1,), dtype=seg_ends.dtype), seg_ends[:-1]])
    positions = jnp.arange(total_assignments) - seg_starts[sorted_expert_ids]
    padded = jnp.zeros((N_EXPERTS, max_count, D_MODEL), dtype=x.dtype)
    padded = padded.at[sorted_expert_ids, positions].set(sorted_inputs)
    gate = jax.nn.silu(jnp.matmul(padded, w1))
    value = jnp.matmul(padded, w2)
    hidden = gate * value
    expert_out = jnp.matmul(hidden, w3)
    all_outputs = expert_out[sorted_expert_ids, positions]
    all_outputs = all_outputs * sorted_weights[:, None]
    output = jnp.zeros((n_tokens, D_MODEL), dtype=x.dtype)
    output = output.at[sorted_token_idx].add(all_outputs)
    return output

if __name__ == "__main__":
    import jax
    _d = setup_inputs()
    print(jax.jit(kernel)(*tuple(_d.values())))

</pallas_src>

<mosaic_0001>
#map = affine_map<(d0, d1) -> (0, 0)>
#map1 = affine_map<(d0, d1) -> (0)>
module attributes {stable_mosaic.version = 14 : i64} {
  func.func @k(%arg0: i32, %arg1: i32, %arg2: memref<4096x768xf32, #tpu.memory_space<hbm>>, %arg3: memref<8192xi32, #tpu.memory_space<hbm>>, %arg4: memref<8192x768xf32, #tpu.memory_space<hbm>>, %arg5: memref<64xi32, #tpu.memory_space<vmem>>, %arg6: memref<64x768xf32, #tpu.memory_space<vmem>>, %arg7: memref<!tpu.dma_semaphore, #tpu.memory_space<semaphore_mem>>) attributes {dimension_semantics = [#tpu.dimension_semantics<core_parallel>, #tpu.dimension_semantics<subcore_parallel>], iteration_bounds = array<i64: 2, 16>, scalar_prefetch = 0 : i64, scratch_operands = 3 : i64, tpu.core_type = #tpu.core_type<sc_vector_subcore>, window_params = [{transform_indices = #map}, {transform_indices = #map1}, {transform_indices = #map}]} {
    %mul3A = arith.constant 2 : i32
    %mul3A_0 = arith.muli %arg1, %mul3A : i32
    %add3A = arith.addi %mul3A_0, %arg0 : i32
    %mul3A_1 = arith.constant 256 : i32
    %mul3A_2 = arith.muli %add3A, %mul3A_1 : i32
    %scan3A = arith.constant 0 : i32
    %scan3A_3 = arith.constant 4 : i32
    %scan3A_4 = arith.addi %scan3A, %scan3A_3 : i32
    %scan3A_5 = arith.constant 1 : i32
    scf.for %scan3A_7 = %scan3A to %scan3A_4 step %scan3A_5  : i32 {
      %mul3A_8 = arith.constant 64 : i32
      %mul3A_9 = arith.muli %scan3A_7, %mul3A_8 : i32
      %add3A_10 = arith.addi %mul3A_2, %mul3A_9 : i32
      "tpu.region"() ({
        %run_scoped3A = tpu.sem_alloc : memref<!tpu.dma_semaphore, #tpu.memory_space<semaphore_mem>>
        %dma_start3A_15 = tpu.memref_slice %arg3[%add3A_10] : memref<8192xi32, #tpu.memory_space<hbm>> -> memref<64xi32, #tpu.memory_space<hbm>>
        %dma_start3A_16 = tpu.memref_slice %arg3[%add3A_10] : memref<8192xi32, #tpu.memory_space<hbm>> -> memref<64xi32, #tpu.memory_space<hbm>>
        tpu.enqueue_dma source(%dma_start3A_16 : memref<64xi32, #tpu.memory_space<hbm>>) target(%arg5 : memref<64xi32, #tpu.memory_space<vmem>>) target_semaphore(%run_scoped3A : memref<!tpu.dma_semaphore, #tpu.memory_space<semaphore_mem>>)
        %dma_wait3A_17 = tpu.memref_slice %arg3[%add3A_10] : memref<8192xi32, #tpu.memory_space<hbm>> -> memref<64xi32, #tpu.memory_space<hbm>>
        %dma_wait3A_18 = tpu.memref_slice %arg3[%add3A_10] : memref<8192xi32, #tpu.memory_space<hbm>> -> memref<64xi32, #tpu.memory_space<hbm>>
        tpu.wait_dma2 semaphore(%run_scoped3A : memref<!tpu.dma_semaphore, #tpu.memory_space<semaphore_mem>>) src(%dma_wait3A_18 : memref<64xi32, #tpu.memory_space<hbm>>) dst(%arg5 : memref<64xi32, #tpu.memory_space<vmem>>)
        tpu.yield
      }) : () -> ()
      %dma_start3A = arith.constant 0 : i32
      %dma_start3A_11 = arith.constant 0 : i32
      %dma_start3A_12 = tpu.memref_slice %arg2[%dma_start3A, %dma_start3A_11] : memref<4096x768xf32, #tpu.memory_space<hbm>> -> memref<4096x768xf32, #tpu.memory_space<hbm>>
      tpu.enqueue_indirect_dma source(%dma_start3A_12 : memref<4096x768xf32, #tpu.memory_space<hbm>>) target(%arg6 : memref<64x768xf32, #tpu.memory_space<vmem>>) offsets(%arg5 : memref<64xi32, #tpu.memory_space<vmem>>) semaphore(%arg7 : memref<!tpu.dma_semaphore, #tpu.memory_space<semaphore_mem>>)
      %dma_wait3A = arith.constant 0 : i32
      %dma_wait3A_13 = arith.constant 0 : i32
      %dma_wait3A_14 = tpu.memref_slice %arg2[%dma_wait3A, %dma_wait3A_13] : memref<4096x768xf32, #tpu.memory_space<hbm>> -> memref<4096x768xf32, #tpu.memory_space<hbm>>
      tpu.wait_indirect_dma semaphore(%arg7 : memref<!tpu.dma_semaphore, #tpu.memory_space<semaphore_mem>>) src(%dma_wait3A_14 : memref<4096x768xf32, #tpu.memory_space<hbm>>) dst(%arg6 : memref<64x768xf32, #tpu.memory_space<vmem>>)
      "tpu.region"() ({
        %run_scoped3A = tpu.sem_alloc : memref<!tpu.dma_semaphore, #tpu.memory_space<semaphore_mem>>
        %dma_start3A_15 = arith.constant 0 : i32
        %dma_start3A_16 = tpu.memref_slice %arg4[%add3A_10, %dma_start3A_15] : memref<8192x768xf32, #tpu.memory_space<hbm>> -> memref<64x768xf32, #tpu.memory_space<hbm>>
        %dma_start3A_17 = arith.constant 0 : i32
        %dma_start3A_18 = tpu.memref_slice %arg4[%add3A_10, %dma_start3A_17] : memref<8192x768xf32, #tpu.memory_space<hbm>> -> memref<64x768xf32, #tpu.memory_space<hbm>>
        tpu.enqueue_dma source(%arg6 : memref<64x768xf32, #tpu.memory_space<vmem>>) target(%dma_start3A_18 : memref<64x768xf32, #tpu.memory_space<hbm>>) target_semaphore(%run_scoped3A : memref<!tpu.dma_semaphore, #tpu.memory_space<semaphore_mem>>)
        %dma_wait3A_19 = arith.constant 0 : i32
        %dma_wait3A_20 = tpu.memref_slice %arg4[%add3A_10, %dma_wait3A_19] : memref<8192x768xf32, #tpu.memory_space<hbm>> -> memref<64x768xf32, #tpu.memory_space<hbm>>
        %dma_wait3A_21 = arith.constant 0 : i32
        %dma_wait3A_22 = tpu.memref_slice %arg4[%add3A_10, %dma_wait3A_21] : memref<8192x768xf32, #tpu.memory_space<hbm>> -> memref<64x768xf32, #tpu.memory_space<hbm>>
        tpu.wait_dma2 semaphore(%run_scoped3A : memref<!tpu.dma_semaphore, #tpu.memory_space<semaphore_mem>>) src(%arg6 : memref<64x768xf32, #tpu.memory_space<vmem>>) dst(%dma_wait3A_22 : memref<64x768xf32, #tpu.memory_space<hbm>>)
        tpu.yield
      }) : () -> ()
    }
    %scan3A_6 = arith.constant 4 : i32
    return
  }
}

#map = affine_map<(d0, d1) -> (0, 0)>
#map1 = affine_map<(d0, d1) -> (0)>
module attributes {stable_mosaic.version = 14 : i64} {
  func.func @k(%arg0: i32, %arg1: i32, %arg2: memref<8192x768xf32, #tpu.memory_space<hbm>>, %arg3: memref<4096xi32, #tpu.memory_space<hbm>>, %arg4: memref<4096xi32, #tpu.memory_space<hbm>>, %arg5: memref<4096x768xf32, #tpu.memory_space<hbm>>, %arg6: memref<32xi32, #tpu.memory_space<vmem>>, %arg7: memref<32xi32, #tpu.memory_space<vmem>>, %arg8: memref<32x768xf32, #tpu.memory_space<vmem>>, %arg9: memref<32x768xf32, #tpu.memory_space<vmem>>, %arg10: memref<32x768xf32, #tpu.memory_space<vmem>>, %arg11: memref<!tpu.dma_semaphore, #tpu.memory_space<semaphore_mem>>, %arg12: memref<!tpu.dma_semaphore, #tpu.memory_space<semaphore_mem>>) attributes {dimension_semantics = [#tpu.dimension_semantics<core_parallel>, #tpu.dimension_semantics<subcore_parallel>], iteration_bounds = array<i64: 2, 16>, scalar_prefetch = 0 : i64, scratch_operands = 7 : i64, tpu.core_type = #tpu.core_type<sc_vector_subcore>, window_params = [{transform_indices = #map}, {transform_indices = #map1}, {transform_indices = #map1}, {transform_indices = #map}]} {
    %mul3A = arith.constant 2 : i32
    %mul3A_0 = arith.muli %arg1, %mul3A : i32
    %add3A = arith.addi %mul3A_0, %arg0 : i32
    %mul3A_1 = arith.constant 128 : i32
    %mul3A_2 = arith.muli %add3A, %mul3A_1 : i32
    %scan3A = arith.constant 0 : i32
    %scan3A_3 = arith.constant 4 : i32
    %scan3A_4 = arith.addi %scan3A, %scan3A_3 : i32
    %scan3A_5 = arith.constant 1 : i32
    scf.for %scan3A_7 = %scan3A to %scan3A_4 step %scan3A_5  : i32 {
      %mul3A_8 = arith.constant 32 : i32
      %mul3A_9 = arith.muli %scan3A_7, %mul3A_8 : i32
      %add3A_10 = arith.addi %mul3A_2, %mul3A_9 : i32
      "tpu.region"() ({
        %run_scoped3A = tpu.sem_alloc : memref<!tpu.dma_semaphore, #tpu.memory_space<semaphore_mem>>
        %dma_start3A_26 = tpu.memref_slice %arg3[%add3A_10] : memref<4096xi32, #tpu.memory_space<hbm>> -> memref<32xi32, #tpu.memory_space<hbm>>
        %dma_start3A_27 = tpu.memref_slice %arg3[%add3A_10] : memref<4096xi32, #tpu.memory_space<hbm>> -> memref<32xi32, #tpu.memory_space<hbm>>
        tpu.enqueue_dma source(%dma_start3A_27 : memref<32xi32, #tpu.memory_space<hbm>>) target(%arg6 : memref<32xi32, #tpu.memory_space<vmem>>) target_semaphore(%run_scoped3A : memref<!tpu.dma_semaphore, #tpu.memory_space<semaphore_mem>>)
        %dma_wait3A_28 = tpu.memref_slice %arg3[%add3A_10] : memref<4096xi32, #tpu.memory_space<hbm>> -> memref<32xi32, #tpu.memory_space<hbm>>
        %dma_wait3A_29 = tpu.memref_slice %arg3[%add3A_10] : memref<4096xi32, #tpu.memory_space<hbm>> -> memref<32xi32, #tpu.memory_space<hbm>>
        tpu.wait_dma2 semaphore(%run_scoped3A : memref<!tpu.dma_semaphore, #tpu.memory_space<semaphore_mem>>) src(%dma_wait3A_29 : memref<32xi32, #tpu.memory_space<hbm>>) dst(%arg6 : memref<32xi32, #tpu.memory_space<vmem>>)
        tpu.yield
      }) : () -> ()
      "tpu.region"() ({
        %run_scoped3A = tpu.sem_alloc : memref<!tpu.dma_semaphore, #tpu.memory_space<semaphore_mem>>
        %dma_start3A_26 = tpu.memref_slice %arg4[%add3A_10] : memref<4096xi32, #tpu.memory_space<hbm>> -> memref<32xi32, #tpu.memory_space<hbm>>
        %dma_start3A_27 = tpu.memref_slice %arg4[%add3A_10] : memref<4096xi32, #tpu.memory_space<hbm>> -> memref<32xi32, #tpu.memory_space<hbm>>
        tpu.enqueue_dma source(%dma_start3A_27 : memref<32xi32, #tpu.memory_space<hbm>>) target(%arg7 : memref<32xi32, #tpu.memory_space<vmem>>) target_semaphore(%run_scoped3A : memref<!tpu.dma_semaphore, #tpu.memory_space<semaphore_mem>>)
        %dma_wait3A_28 = tpu.memref_slice %arg4[%add3A_10] : memref<4096xi32, #tpu.memory_space<hbm>> -> memref<32xi32, #tpu.memory_space<hbm>>
        %dma_wait3A_29 = tpu.memref_slice %arg4[%add3A_10] : memref<4096xi32, #tpu.memory_space<hbm>> -> memref<32xi32, #tpu.memory_space<hbm>>
        tpu.wait_dma2 semaphore(%run_scoped3A : memref<!tpu.dma_semaphore, #tpu.memory_space<semaphore_mem>>) src(%dma_wait3A_29 : memref<32xi32, #tpu.memory_space<hbm>>) dst(%arg7 : memref<32xi32, #tpu.memory_space<vmem>>)
        tpu.yield
      }) : () -> ()
      %dma_start3A = arith.constant 0 : i32
      %dma_start3A_11 = arith.constant 0 : i32
      %dma_start3A_12 = tpu.memref_slice %arg2[%dma_start3A, %dma_start3A_11] : memref<8192x768xf32, #tpu.memory_space<hbm>> -> memref<8192x768xf32, #tpu.memory_space<hbm>>
      tpu.enqueue_indirect_dma source(%dma_start3A_12 : memref<8192x768xf32, #tpu.memory_space<hbm>>) target(%arg8 : memref<32x768xf32, #tpu.memory_space<vmem>>) offsets(%arg6 : memref<32xi32, #tpu.memory_space<vmem>>) semaphore(%arg11 : memref<!tpu.dma_semaphore, #tpu.memory_space<semaphore_mem>>)
      %dma_start3A_13 = arith.constant 0 : i32
      %dma_start3A_14 = arith.constant 0 : i32
      %dma_start3A_15 = tpu.memref_slice %arg2[%dma_start3A_13, %dma_start3A_14] : memref<8192x768xf32, #tpu.memory_space<hbm>> -> memref<8192x768xf32, #tpu.memory_space<hbm>>
      tpu.enqueue_indirect_dma source(%dma_start3A_15 : memref<8192x768xf32, #tpu.memory_space<hbm>>) target(%arg9 : memref<32x768xf32, #tpu.memory_space<vmem>>) offsets(%arg7 : memref<32xi32, #tpu.memory_space<vmem>>) semaphore(%arg12 : memref<!tpu.dma_semaphore, #tpu.memory_space<semaphore_mem>>)
      %dma_wait3A = arith.constant 0 : i32
      %dma_wait3A_16 = arith.constant 0 : i32
      %dma_wait3A_17 = tpu.memref_slice %arg2[%dma_wait3A, %dma_wait3A_16] : memref<8192x768xf32, #tpu.memory_space<hbm>> -> memref<8192x768xf32, #tpu.memory_space<hbm>>
      tpu.wait_indirect_dma semaphore(%arg11 : memref<!tpu.dma_semaphore, #tpu.memory_space<semaphore_mem>>) src(%dma_wait3A_17 : memref<8192x768xf32, #tpu.memory_space<hbm>>) dst(%arg8 : memref<32x768xf32, #tpu.memory_space<vmem>>)
      %dma_wait3A_18 = arith.constant 0 : i32
      %dma_wait3A_19 = arith.constant 0 : i32
      %dma_wait3A_20 = tpu.memref_slice %arg2[%dma_wait3A_18, %dma_wait3A_19] : memref<8192x768xf32, #tpu.memory_space<hbm>> -> memref<8192x768xf32, #tpu.memory_space<hbm>>
      tpu.wait_indirect_dma semaphore(%arg12 : memref<!tpu.dma_semaphore, #tpu.memory_space<semaphore_mem>>) src(%dma_wait3A_20 : memref<8192x768xf32, #tpu.memory_space<hbm>>) dst(%arg9 : memref<32x768xf32, #tpu.memory_space<vmem>>)
      %scan3A_21 = arith.constant 0 : i32
      %scan3A_22 = arith.constant 32 : i32
      %scan3A_23 = arith.addi %scan3A_21, %scan3A_22 : i32
      %scan3A_24 = arith.constant 1 : i32
      scf.for %scan3A_26 = %scan3A_21 to %scan3A_23 step %scan3A_24  : i32 {
        %scan3A_27 = arith.constant 0 : i32
        %scan3A_28 = arith.constant 48 : i32
        %scan3A_29 = arith.addi %scan3A_27, %scan3A_28 : i32
        %scan3A_30 = arith.constant 1 : i32
        scf.for %scan3A_32 = %scan3A_27 to %scan3A_29 step %scan3A_30  : i32 {
          %mul3A_33 = arith.constant 16 : i32
          %mul3A_34 = arith.muli %scan3A_32, %mul3A_33 : i32
          %get3A = arith.index_cast %scan3A_26 : i32 to index
          %get3A_35 = arith.index_cast %mul3A_34 : i32 to index
          %get3A_36 = tpu.vector_load %arg8[%get3A, %get3A_35] {strides = array<i32>} : memref<32x768xf32, #tpu.memory_space<vmem>>, vector<1x16xf32>,
          %get3A_37 = vector.shape_cast %get3A_36 : vector<1x16xf32> to vector<16xf32>
          %get3A_38 = arith.index_cast %scan3A_26 : i32 to index
          %get3A_39 = arith.index_cast %mul3A_34 : i32 to index
          %get3A_40 = tpu.vector_load %arg9[%get3A_38, %get3A_39] {strides = array<i32>} : memref<32x768xf32, #tpu.memory_space<vmem>>, vector<1x16xf32>,
          %get3A_41 = vector.shape_cast %get3A_40 : vector<1x16xf32> to vector<16xf32>
          %add3A_42 = arith.addf %get3A_37, %get3A_41 : vector<16xf32>
          %swap3A = arith.index_cast %scan3A_26 : i32 to index
          %swap3A_43 = arith.index_cast %mul3A_34 : i32 to index
          %swap3A_44 = tpu.vector_load %arg10[%swap3A, %swap3A_43] {strides = array<i32>} : memref<32x768xf32, #tpu.memory_space<vmem>>, vector<1x16xf32>,
          %swap3A_45 = vector.shape_cast %swap3A_44 : vector<1x16xf32> to vector<16xf32>
          %swap3A_46 = vector.shape_cast %add3A_42 : vector<16xf32> to vector<1x16xf32>
          tpu.vector_store %arg10[%swap3A, %swap3A_43], %swap3A_46 {strides = array<i32>} : memref<32x768xf32, #tpu.memory_space<vmem>>, vector<1x16xf32>,
        }
        %scan3A_31 = arith.constant 48 : i32
      }
      %scan3A_25 = arith.constant 32 : i32
      "tpu.region"() ({
        %run_scoped3A = tpu.sem_alloc : memref<!tpu.dma_semaphore, #tpu.memory_space<semaphore_mem>>
        %dma_start3A_26 = arith.constant 0 : i32
        %dma_start3A_27 = tpu.memref_slice %arg5[%add3A_10, %dma_start3A_26] : memref<4096x768xf32, #tpu.memory_space<hbm>> -> memref<32x768xf32, #tpu.memory_space<hbm>>
        %dma_start3A_28 = arith.constant 0 : i32
        %dma_start3A_29 = tpu.memref_slice %arg5[%add3A_10, %dma_start3A_28] : memref<4096x768xf32, #tpu.memory_space<hbm>> -> memref<32x768xf32, #tpu.memory_space<hbm>>
        tpu.enqueue_dma source(%arg10 : memref<32x768xf32, #tpu.memory_space<vmem>>) target(%dma_start3A_29 : memref<32x768xf32, #tpu.memory_space<hbm>>) target_semaphore(%run_scoped3A : memref<!tpu.dma_semaphore, #tpu.memory_space<semaphore_mem>>)
        %dma_wait3A_30 = arith.constant 0 : i32
        %dma_wait3A_31 = tpu.memref_slice %arg5[%add3A_10, %dma_wait3A_30] : memref<4096x768xf32, #tpu.memory_space<hbm>> -> memref<32x768xf32, #tpu.memory_space<hbm>>
        %dma_wait3A_32 = arith.constant 0 : i32
        %dma_wait3A_33 = tpu.memref_slice %arg5[%add3A_10, %dma_wait3A_32] : memref<4096x768xf32, #tpu.memory_space<hbm>> -> memref<32x768xf32, #tpu.memory_space<hbm>>
        tpu.wait_dma2 semaphore(%run_scoped3A : memref<!tpu.dma_semaphore, #tpu.memory_space<semaphore_mem>>) src(%arg10 : memref<32x768xf32, #tpu.memory_space<vmem>>) dst(%dma_wait3A_33 : memref<32x768xf32, #tpu.memory_space<hbm>>)
        tpu.yield
      }) : () -> ()
    }
    %scan3A_6 = arith.constant 4 : i32
    return
  }
}

module attributes {stable_mosaic.version = 14 : i64} {
  func.func @_ffn_body(%arg0: i32, %arg1: memref<5x127xi32, #tpu.memory_space<smem>>, %arg2: memref<128x768xf32, #tpu.memory_space<vmem>>, %arg3: memref<1x768x1024xf32, #tpu.memory_space<vmem>>, %arg4: memref<1x768x1024xf32, #tpu.memory_space<vmem>>, %arg5: memref<1x1024x768xf32, #tpu.memory_space<vmem>>, %arg6: memref<128x1xf32, #tpu.memory_space<vmem>>, %arg7: memref<128x768xf32, #tpu.memory_space<vmem>>) attributes {dimension_semantics = [#tpu.dimension_semantics<arbitrary>], iteration_bounds = array<i64: 127>, scalar_prefetch = 1 : i64, scratch_operands = 0 : i64, tpu.core_type = #tpu.core_type<tc>, window_params = [{transform_indices = @transform_0, window_bounds = array<i64: 128, 768>}, {transform_indices = @transform_1, window_bounds = array<i64: 1, 768, 1024>}, {transform_indices = @transform_2, window_bounds = array<i64: 1, 768, 1024>}, {transform_indices = @transform_3, window_bounds = array<i64: 1, 1024, 768>}, {transform_indices = @transform_4, window_bounds = array<i64: 128, 1>}, {transform_indices = @transform_5, window_bounds = array<i64: 128, 768>}]} {
    %get3A = arith.constant 2 : index
    %get3A_0 = arith.index_cast %arg0 : i32 to index
    %get3A_1 = memref.load %arg1[%get3A, %get3A_0] : memref<5x127xi32, #tpu.memory_space<smem>>
    %get3A_2 = arith.constant 3 : index
    %get3A_3 = arith.index_cast %arg0 : i32 to index
    %get3A_4 = memref.load %arg1[%get3A_2, %get3A_3] : memref<5x127xi32, #tpu.memory_space<smem>>
    %get3A_5 = arith.constant 4 : index
    %get3A_6 = arith.index_cast %arg0 : i32 to index
    %get3A_7 = memref.load %arg1[%get3A_5, %get3A_6] : memref<5x127xi32, #tpu.memory_space<smem>>
    %get3A_8 = arith.constant 0 : index
    %get3A_9 = arith.constant 0 : index
    %get3A_10 = vector.load %arg2[%get3A_8, %get3A_9] : memref<128x768xf32, #tpu.memory_space<vmem>>, vector<128x768xf32>
    %convert_element_type3A = arith.truncf %get3A_10 : vector<128x768xf32> to vector<128x768xbf16>
    %get3A_11 = arith.constant 0 : index
    %get3A_12 = arith.constant 0 : index
    %get3A_13 = arith.constant 0 : index
    %get3A_14 = vector.load %arg3[%get3A_11, %get3A_12, %get3A_13] : memref<1x768x1024xf32, #tpu.memory_space<vmem>>, vector<1x768x1024xf32>
    %get3A_15 = vector.shape_cast %get3A_14 : vector<1x768x1024xf32> to vector<768x1024xf32>
    %convert_element_type3A_16 = arith.truncf %get3A_15 : vector<768x1024xf32> to vector<768x1024xbf16>
    %get3A_17 = arith.constant 0 : index
    %get3A_18 = arith.constant 0 : index
    %get3A_19 = arith.constant 0 : index
    %get3A_20 = vector.load %arg4[%get3A_17, %get3A_18, %get3A_19] : memref<1x768x1024xf32, #tpu.memory_space<vmem>>, vector<1x768x1024xf32>
    %get3A_21 = vector.shape_cast %get3A_20 : vector<1x768x1024xf32> to vector<768x1024xf32>
    %convert_element_type3A_22 = arith.truncf %get3A_21 : vector<768x1024xf32> to vector<768x1024xbf16>
    %get3A_23 = arith.constant 0 : index
    %get3A_24 = arith.constant 0 : index
    %get3A_25 = arith.constant 0 : index
    %get3A_26 = vector.load %arg5[%get3A_23, %get3A_24, %get3A_25] : memref<1x1024x768xf32, #tpu.memory_space<vmem>>, vector<1x1024x768xf32>
    %get3A_27 = vector.shape_cast %get3A_26 : vector<1x1024x768xf32> to vector<1024x768xf32>
    %convert_element_type3A_28 = arith.truncf %get3A_27 : vector<1024x768xf32> to vector<1024x768xbf16>
    %dot_general3A = arith.constant dense<0.000000e+00> : vector<128x1024xf32>
    %dot_general3A_29 = tpu.matmul %convert_element_type3A, %convert_element_type3A_16, %dot_general3A {dimension_numbers = #tpu.dot_dimension_numbers<[1], [0], [0], [1], [0, 0, 1, 1], [], []>, transpose_lhs_hint = false} : vector<128x768xbf16>, vector<768x1024xbf16>, vector<128x1024xf32> -> vector<128x1024xf32>
    %logistic3A = arith.negf %dot_general3A_29 : vector<128x1024xf32>
    %logistic3A_30 = math.exp %logistic3A : vector<128x1024xf32>
    %logistic3A_31 = arith.constant 1.000000e+00 : f32
    %logistic3A_32 = vector.broadcast %logistic3A_31 : f32 to vector<128x1024xf32>
    %logistic3A_33 = arith.addf %logistic3A_32, %logistic3A_30 : vector<128x1024xf32>
    %logistic3A_34 = arith.divf %logistic3A_32, %logistic3A_33 : vector<128x1024xf32>
    %mul3A = arith.mulf %dot_general3A_29, %logistic3A_34 : vector<128x1024xf32>
    %dot_general3A_35 = arith.constant dense<0.000000e+00> : vector<128x1024xf32>
    %dot_general3A_36 = tpu.matmul %convert_element_type3A, %convert_element_type3A_22, %dot_general3A_35 {dimension_numbers = #tpu.dot_dimension_numbers<[1], [0], [0], [1], [0, 0, 1, 1], [], []>, transpose_lhs_hint = false} : vector<128x768xbf16>, vector<768x1024xbf16>, vector<128x1024xf32> -> vector<128x1024xf32>
    %mul3A_37 = arith.mulf %mul3A, %dot_general3A_36 : vector<128x1024xf32>
    %convert_element_type3A_38 = arith.truncf %mul3A_37 : vector<128x1024xf32> to vector<128x1024xbf16>
    %dot_general3A_39 = arith.constant dense<0.000000e+00> : vector<128x768xf32>
    %dot_general3A_40 = tpu.matmul %convert_element_type3A_38, %convert_element_type3A_28, %dot_general3A_39 {dimension_numbers = #tpu.dot_dimension_numbers<[1], [0], [0], [1], [0, 0, 1, 1], [], []>, transpose_lhs_hint = false} : vector<128x1024xbf16>, vector<1024x768xbf16>, vector<128x768xf32> -> vector<128x768xf32>
    %iota3A = tpu.iota {dimensions = array<i32: 0>} : vector<128x1xi32>
    %ge3A = vector.broadcast %get3A_1 : i32 to vector<128x1xi32>
    %ge3A_41 = arith.cmpi sge, %iota3A, %ge3A : vector<128x1xi32>
    %lt3A = vector.broadcast %get3A_4 : i32 to vector<128x1xi32>
    %lt3A_42 = arith.cmpi slt, %iota3A, %lt3A : vector<128x1xi32>
    %and3A = arith.andi %ge3A_41, %lt3A_42 : vector<128x1xi1>
    %get3A_43 = arith.constant 0 : index
    %get3A_44 = arith.constant 0 : index
    %get3A_45 = vector.load %arg6[%get3A_43, %get3A_44] : memref<128x1xf32, #tpu.memory_space<vmem>>, vector<128x1xf32>
    %mul3A_46 = vector.broadcast %get3A_45 : vector<128x1xf32> to vector<128x768xf32>
    %mul3A_47 = arith.mulf %dot_general3A_40, %mul3A_46 : vector<128x768xf32>
    %jit3A = arith.constant 0.000000e+00 : f32
    %broadcast_in_dim3A = vector.shape_cast %and3A : vector<128x1xi1> to vector<128x1xi1>
    %broadcast_in_dim3A_48 = vector.broadcast %broadcast_in_dim3A : vector<128x1xi1> to vector<128x768xi1>
    %broadcast_in_dim3A_49 = vector.broadcast %jit3A : f32 to vector<128x768xf32>
    %select_n3A = arith.select %broadcast_in_dim3A_48, %mul3A_47, %broadcast_in_dim3A_49 : vector<128x768xi1>, vector<128x768xf32>
    %eq3A = arith.constant 1 : i32
    %eq3A_50 = arith.cmpi eq, %get3A_7, %eq3A : i32
    %convert_element_type3A_51 = arith.extui %eq3A_50 : i1 to i32
    %cond3A = arith.constant 0 : i32
    %cond3A_52 = arith.cmpi ne, %convert_element_type3A_51, %cond3A : i32
    scf.if %cond3A_52 {
      %swap3A = arith.constant 0 : index
      %swap3A_58 = arith.constant 0 : index
      %swap3A_59 = vector.load %arg7[%swap3A, %swap3A_58] : memref<128x768xf32, #tpu.memory_space<vmem>>, vector<128x768xf32>
      tpu.vector_store %arg7[%swap3A, %swap3A_58], %select_n3A {strides = array<i32>} : memref<128x768xf32, #tpu.memory_space<vmem>>, vector<128x768xf32>,
    } else {
    }
    %eq3A_53 = arith.constant 0 : i32
    %eq3A_54 = arith.cmpi eq, %get3A_7, %eq3A_53 : i32
    %convert_element_type3A_55 = arith.extui %eq3A_54 : i1 to i32
    %cond3A_56 = arith.constant 0 : i32
    %cond3A_57 = arith.cmpi ne, %convert_element_type3A_55, %cond3A_56 : i32
    scf.if %cond3A_57 {
      %get3A_58 = arith.constant 0 : index
      %get3A_59 = arith.constant 0 : index
      %get3A_60 = vector.load %arg7[%get3A_58, %get3A_59] : memref<128x768xf32, #tpu.memory_space<vmem>>, vector<128x768xf32>
      %add3A = arith.addf %get3A_60, %select_n3A : vector<128x768xf32>
      %swap3A = arith.constant 0 : index
      %swap3A_61 = arith.constant 0 : index
      %swap3A_62 = vector.load %arg7[%swap3A, %swap3A_61] : memref<128x768xf32, #tpu.memory_space<vmem>>, vector<128x768xf32>
      tpu.vector_store %arg7[%swap3A, %swap3A_61], %add3A {strides = array<i32>} : memref<128x768xf32, #tpu.memory_space<vmem>>, vector<128x768xf32>,
    } else {
    }
    return
  }
  func.func @transform_0(%arg0: i32, %arg1: memref<5x127xi32, #tpu.memory_space<smem>>) -> (i32, i32) {
    %get3A = arith.constant 0 : index
    %get3A_0 = arith.index_cast %arg0 : i32 to index
    %get3A_1 = memref.load %arg1[%get3A, %get3A_0] : memref<5x127xi32, #tpu.memory_space<smem>>
    %c0_i32 = arith.constant 0 : i32
    %c0_i32_2 = arith.constant 0 : i32
    return %get3A_1, %c0_i32 : i32, i32
  }
  func.func @transform_1(%arg0: i32, %arg1: memref<5x127xi32, #tpu.memory_space<smem>>) -> (i32, i32, i32) {
    %get3A = arith.constant 1 : index
    %get3A_0 = arith.index_cast %arg0 : i32 to index
    %get3A_1 = memref.load %arg1[%get3A, %get3A_0] : memref<5x127xi32, #tpu.memory_space<smem>>
    %c0_i32 = arith.constant 0 : i32
    %c0_i32_2 = arith.constant 0 : i32
    %c0_i32_3 = arith.constant 0 : i32
    return %get3A_1, %c0_i32, %c0_i32_2 : i32, i32, i32
  }
  func.func @transform_2(%arg0: i32, %arg1: memref<5x127xi32, #tpu.memory_space<smem>>) -> (i32, i32, i32) {
    %get3A = arith.constant 1 : index
    %get3A_0 = arith.index_cast %arg0 : i32 to index
    %get3A_1 = memref.load %arg1[%get3A, %get3A_0] : memref<5x127xi32, #tpu.memory_space<smem>>
    %c0_i32 = arith.constant 0 : i32
    %c0_i32_2 = arith.constant 0 : i32
    %c0_i32_3 = arith.constant 0 : i32
    return %get3A_1, %c0_i32, %c0_i32_2 : i32, i32, i32
  }
  func.func @transform_3(%arg0: i32, %arg1: memref<5x127xi32, #tpu.memory_space<smem>>) -> (i32, i32, i32) {
    %get3A = arith.constant 1 : index
    %get3A_0 = arith.index_cast %arg0 : i32 to index
    %get3A_1 = memref.load %arg1[%get3A, %get3A_0] : memref<5x127xi32, #tpu.memory_space<smem>>
    %c0_i32 = arith.constant 0 : i32
    %c0_i32_2 = arith.constant 0 : i32
    %c0_i32_3 = arith.constant 0 : i32
    return %get3A_1, %c0_i32, %c0_i32_2 : i32, i32, i32
  }
  func.func @transform_4(%arg0: i32, %arg1: memref<5x127xi32, #tpu.memory_space<smem>>) -> (i32, i32) {
    %get3A = arith.constant 0 : index
    %get3A_0 = arith.index_cast %arg0 : i32 to index
    %get3A_1 = memref.load %arg1[%get3A, %get3A_0] : memref<5x127xi32, #tpu.memory_space<smem>>
    %c0_i32 = arith.constant 0 : i32
    %c0_i32_2 = arith.constant 0 : i32
    return %get3A_1, %c0_i32 : i32, i32
  }
  func.func @transform_5(%arg0: i32, %arg1: memref<5x127xi32, #tpu.memory_space<smem>>) -> (i32, i32) {
    %get3A = arith.constant 0 : index
    %get3A_0 = arith.index_cast %arg0 : i32 to index
    %get3A_1 = memref.load %arg1[%get3A, %get3A_0] : memref<5x127xi32, #tpu.memory_space<smem>>
    %c0_i32 = arith.constant 0 : i32
    %c0_i32_2 = arith.constant 0 : i32
    return %get3A_1, %c0_i32 : i32, i32
  }
}

</mosaic_0001>

<sc_bundles>
// kernel: gather_offload_async_start
scs
__scs_entry_jumppad:
0x0: {  	(pc) =	sbr.rel $0x88, $3  }
0x1: {  	(tag) =	ssettag $0x0;
	lr =	simm.s32 $0x1  }
0x2: {  	[smem:$0x3F9B] =	sst lr;
	_ =	strace $0xD0000000  }
0x3: {  	_ = 	snop  }
0x4: {  	_ = 	snop  }
0x5: {  	_ = 	snop  }
0x6: {  	_ = 	snop  }
0x7: {  	_ = 	snop  }
__scs_overlays_trampoline_lowered:
0x8: {  	[smem:$0x3FAA] =	sst s0  }
0x9: {  	[smem:$0x3FAB] =	sst s1  }
0xa: {  	[smem:$0x3FAC] =	sst s2  }
0xb: {  	[smem:$0x3FAD] =	sst s3  }
0xc: {  	[smem:$0x3FAE] =	sst s4  }
0xd: {  	[smem:$0x3FAF] =	sst s5  }
0xe: {  	[smem:$0x3FB0] =	sst s6  }
0xf: {  	[smem:$0x3FB1] =	sst s7  }
0x10: {  	[smem:$0x3FB2] =	sst s8  }
0x11: {  	[smem:$0x3FB3] =	sst s9;
	s0 =	simm.s32 @!p0 $0x0  }
0x12: {  	s1 =	sld [smem:$0x3F99];
	s0 =	simm.s32 @p0 $0x1  }
0x13: {  	[smem:$0x3FB4] =	sst s0;
	s0 =	simm.s32 @!p1 $0x0  }
0x14: {  	s2 =	sld [smem:$0x3F98];
	s0 =	simm.s32 @p1 $0x1  }
0x15: {  	[smem:$0x3FB5] =	sst s0;
	s0 =	simm.s32 @!p2 $0x0  }
0x16: {  	s3 =	sld [smem:$0x3FDB];
	s0 =	simm.s32 @p2 $0x1  }
0x17: {  	s4 =	simm.s32 $0x1BF5;
	[smem:$0x3FB7] =	sst s0  }
0x18: {  	s0 =	sld [smem:$0x3F9A];
	_ =	swait.ge [sflag:s4], $0x0  }
0x19: {  	s7 =	sld [smem:$0x3F9B]  }
0x1a: {  	s8 =	sadd.s32 $0xFFFFE003, lr  }
0x1b: {  	s9 =	sadd.s32 $0xFFFFFEF7, lr;
	s5 =	simm.s32 $0xFFFFFFFF;
	p2 =	slt.u32 s8, $0xFFFFF086  }
0x1c: {  	p1 =	slt.u32 s9, $0xF7A;
	s5 =	simm.s32 @!p2 $0x0  }
0x1d: {  	s5 =	simm.s32 @p1 $0x1;
	p0 =	seq.s32 s7, s2  }
0x1e: {  	s7 =	smul.u32 @!p0 $0xF7A, s2;
	p2 =	seq.s32 @!p0 s5, $0x0  }
0x1f: {  	s9 =	smul.u32 $0xF7A, s1;
	s8 =	simm.s32 @!p0 $0x1BF5;
	p2 =	por !p2, p0  }
0x20: {  	[sflag:s8] =	ssyncset.s32 @!p0 $0xFFFFF086;
	s6 =	sadd.s32 @!p0 s3, s7;
	s7 =	simm.s32 @!p0 $0x108  }
0x21: {  	s3 =	sadd.s32 s3, s9;
	s6 =	sadd.s32 @!p0 $0x88, s6;
	s7 =	simm.s32 @p2 $0x1082  }
0x22: {  	[simem:s7], [sflag:s8] =	dma.local @!p0 [hbm:s6], $0xF7A  }
0x23: {  	s9 =	sor.u32 $0xD0000000, s2;
	s6 =	simm.s32 $0x108;
	_ =	swait.ge @!p0 [sflag:s8], $0x0  }
0x24: {  	s3 =	sadd.s32 $0x88, s3;
	s6 =	simm.s32 @!p1 $0x1082;
	[sflag:s4] =	ssyncset.s32 $0xFFFFF086  }
0x25: {  	[simem:s6], [sflag:s4] =	dma.local [hbm:s3], $0xF7A  }
0x26: {  	[smem:$0x3F9B] =	sst s1;
	(tag) =	ssettag s2;
	_ =	strace s9  }
0x27: {  	s1 =	sld [smem:$0x3FAB]  }
0x28: {  	s2 =	sld [smem:$0x3FAC]  }
0x29: {  	s4 =	sld [smem:$0x3FAE]  }
0x2a: {  	p0 =	seq.s32 s5, $0x0;
	s5 =	sld [smem:$0x3FAF]  }
0x2b: {  	s6 =	sld [smem:$0x3FB0]  }
0x2c: {  	s7 =	sld [smem:$0x3FB1]  }
0x2d: {  	s3 =	simm.s32 $0x108;
	s8 =	sld [smem:$0x3FB2]  }
0x2e: {  	s3 =	simm.s32 @!p0 $0x1082;
	s9 =	sld [smem:$0x3FB3]  }
0x2f: {  	lr =	sadd.s32 s0, s3;
	s0 =	sld [smem:$0x3FAA]  }
0x30: {  	s3 =	sld [smem:$0x3FAD]  }
0x31: {  	[smem:$0x3FB6] =	sst s10  }
0x32: {  	s10 =	sld [smem:$0x3FB4];
	_ =	sdelay $0x3  }
0x33: {  	p0 =	seq.s32 s10, $0x1;
	s10 =	sld [smem:$0x3FB6];
	_ =	sdelay $0x3  }
0x34: {  	[smem:$0x3FB6] =	sst s10  }
0x35: {  	s10 =	sld [smem:$0x3FB5];
	_ =	sdelay $0x3  }
0x36: {  	p1 =	seq.s32 s10, $0x1;
	s10 =	sld [smem:$0x3FB6];
	_ =	sdelay $0x3  }
0x37: {  	[smem:$0x3FB6] =	sst s10  }
0x38: {  	s10 =	sld [smem:$0x3FB7]  }
0x39: {  	_ = 	snop;
	(pc) =	sbr.ind lr, $3  }
0x3a: {  	_ = 	snop  }
0x3b: {  	_ = 	snop  }
0x3c: {  	p2 =	seq.s32 s10, $0x1;
	s10 =	sld [smem:$0x3FB6]  }
0x3d: {  	_ =	shalt  }
0x3e: {  	_ =	shalt  }
0x3f: {  	_ =	shalt  }
0x40: {  	_ =	shalt  }
0x41: {  	_ =	shalt  }
0x42: {  	_ =	shalt  }
0x43: {  	_ =	shalt  }
0x44: {  	_ =	shalt  }
0x45: {  	_ =	shalt  }
0x46: {  	_ =	shalt  }
0x47: {  	_ =	shalt  }
0x48: {  	_ =	shalt  }
0x49: {  	_ =	shalt  }
0x4a: {  	_ =	shalt  }
0x4b: {  	_ =	shalt  }
0x4c: {  	_ =	shalt  }
0x4d: {  	_ =	shalt  }
0x4e: {  	_ =	shalt  }
0x4f: {  	_ =	shalt  }
0x50: {  	_ =	shalt  }
0x51: {  	_ =	shalt  }
0x52: {  	_ =	shalt  }
0x53: {  	_ =	shalt  }
0x54: {  	_ =	shalt  }
0x55: {  	_ =	shalt  }
0x56: {  	_ =	shalt  }
0x57: {  	_ =	shalt  }
0x58: {  	_ =	shalt  }
0x59: {  	_ =	shalt  }
0x5a: {  	_ =	shalt  }
0x5b: {  	_ =	shalt  }
0x5c: {  	_ =	shalt  }
0x5d: {  	_ =	shalt  }
0x5e: {  	_ =	shalt  }
0x5f: {  	_ =	shalt  }
0x60: {  	_ =	shalt  }
0x61: {  	_ =	shalt  }
0x62: {  	_ =	shalt  }
0x63: {  	_ =	shalt  }
0x64: {  	_ =	shalt  }
0x65: {  	_ =	shalt  }
0x66: {  	_ =	shalt  }
0x67: {  	_ =	shalt  }
0x68: {  	_ =	shalt  }
0x69: {  	_ =	shalt  }
0x6a: {  	_ =	shalt  }
0x6b: {  	_ =	shalt  }
0x6c: {  	_ =	shalt  }
0x6d: {  	_ =	shalt  }
0x6e: {  	_ =	shalt  }
0x6f: {  	_ =	shalt  }
0x70: {  	_ =	shalt  }
0x71: {  	_ =	shalt  }
0x72: {  	_ =	shalt  }
0x73: {  	_ =	shalt  }
0x74: {  	_ =	shalt  }
0x75: {  	_ =	shalt  }
0x76: {  	_ =	shalt  }
0x77: {  	_ =	shalt  }
0x78: {  	_ =	shalt  }
0x79: {  	_ =	shalt  }
0x7a: {  	_ =	shalt  }
0x7b: {  	_ =	shalt  }
0x7c: {  	_ =	shalt  }
0x7d: {  	_ =	shalt  }
0x7e: {  	_ =	shalt  }
0x7f: {  	_ =	shalt  }
0x80: {  	_ =	shalt  }
0x81: {  	_ =	shalt  }
0x82: {  	_ =	shalt  }
0x83: {  	_ =	shalt  }
0x84: {  	_ =	shalt  }
0x85: {  	_ =	shalt  }
0x86: {  	_ =	shalt  }
0x87: {  	_ =	shalt  }
.Lfunc_end0:
.L_simem_size_0:
called_computation_lowered:
.L_overlay_start_0:
0x88: {  	s2 =	sld [smem:$0x3FD9]  }
0x89: {  	s3 =	sld [smem:$0x3FFE];
	_ =	sdelay $0x1  }
0x8a: {  	s1 =	srdreg.scid  }
0x8b: {  	s0 =	sand.u32 $0x1, s1  }
0x8c: {  	s17 =	sshll.u32 s0, $0xA;
	s2 =	sadd.s32 s3, s2  }
0x8d: {  	s2 =	sadd.s32 s2, s17  }
0x8e: {  	[smem:$0x3FC2] =	sst s2  }
0x8f: {  	_ = 	snop  }
0x90: {  	s2 =	sld [smem:$0x3FD0];
	(tm) =	ssettm $0x1  }
0x91: {  	s18 =	sld [smem:$0x3FFB];
	_ =	sdelay $0x3  }
0x92: {  	_ =	strace s18  }
0x93: {  	s3 =	sld [smem:$0x3FFC];
	_ =	sdelay $0x3  }
0x94: {  	_ =	strace s3  }
0x95: {  	s3 =	sld [smem:$0x3FFD];
	_ =	sdelay $0x3  }
0x96: {  	_ =	strace s3  }
0x97: {  	_ =	strace $0x8FFFFFFF  }
0x98: {  	s19 =	sld [smem:$0x3FDB];
	_ =	sdelay $0x1  }
0x99: {  	s4 =	simm.s32 $_scs_section_size  }
0x9a: {  	s5 =	simm.s32 $_size__tile_overlayer_lowered;
	s6 =	simm.s32 $_tile_overlayer_lowered  }
0x9b: {  	s22 =	simm.s32 $0x1BFF;
	s21 =	sshll.u32 s6, $0x1;
	s3 =	sadd.s32 s4, s19  }
0x9c: {  	s7 =	simm.s32 $0x0;
	s20 =	sshll.u32 s5, $0x1;
	s5 =	sadd.s32 s21, s3  }
0x9d: {  	[timem:s7], [sflag:s22] =	dma.local [hbm:s5], s20  }
0x9e: {  	_ =	swait.ge [sflag:s22], s20  }
0x9f: {  	s4 =	ssub.s32 $0x0, s20;
	[sflag:s22] =	ssyncset.done $0x0  }
0xa0: {  	[sflag:s22] =	ssyncadd.s32 s4;
	_ =	sdelay $0x1  }
0xa1: {  	s23 =	simm.s32 $0x1B8B  }
0xa2: {  	_ =	swait.ge [sflag:s23], $0x1  }
0xa3: {  	[sflag:s23] =	ssyncset.done $0x0  }
0xa4: {  	s25 =	simm.s32 $0x1B8E;
	s24 =	sld [smem:$0x3FFE];
	[sflag:s23] =	ssyncadd.s32 $0xFFFFFFFF  }
0xa5: {  	s26 =	simm.s32 $execute0_lowered;
	[smem:$0x3FD2] =	sst s25  }
0xa6: {  	s5 =	sshll.u32 s26, $0x1;
	_ =	strace $0x80000046;
	[dreg:$0x1] =	wrdreg $0xFFFFFFFF  }
0xa7: {  	s28 =	simm.s32 $_size_execute0_lowered;
	s3 =	sadd.s32 s3, s5;
	[dreg:$0x0] =	wrdreg $0x0  }
0xa8: {  	s5 =	sshll.u32 s28, $0x1;
	[dreg:$0x2] =	wrdreg s3  }
0xa9: {  	[dreg:$0x3] =	wrdreg s5  }
0xaa: {  	[dreg:$0x4] =	wrdreg $0xC0  }
0xab: {  	_ =	task [dreg:s7], $0x5FFFF  }
0xac: {  	[dreg:$0x1] =	wrdreg $0xFFFFFFFF  }
0xad: {  	[dreg:$0x0] =	wrdreg $0x60  }
0xae: {  	[dreg:$0x2] =	wrdreg s24  }
0xaf: {  	[dreg:$0x3] =	wrdreg s2  }
0xb0: {  	[dreg:$0x4] =	wrdreg $0x9  }
0xb1: {  	_ =	task.clear_ibuf [dreg:s7], $0x5FFFF;
	_ =	strace $0x90000046  }
0xb2: {  	s29 =	simm.s32 $0x9;
	_ =	strace $0x80000048  }
0xb3: {  	_ =	swait.ge [sflag:s29], $0x1  }
0xb4: {  	[sflag:s29] =	ssyncadd.s32 $0xFFFFFFFF  }
0xb5: {  	_ =	strace $0x90000048  }
0xb6: {  	_ =	sfence  }
0xb7: {  	s30 =	sld [smem:$0x0];
	_ =	sdelay $0x2  }
0xb8: {  	s31 =	sshll.u32 s1, $0xD;
	s1 =	sshrl.u32 s1, $0x2  }
0xb9: {  	s3 =	sand.u32 $0x4000, s31;
	s1 =	sadd.s32 s1, s30  }
0xba: {  	s0 =	sor.u32 s3, s0;
	s1 =	sshll.u32 s1, $0x11  }
0xbb: {  	s0 =	sor.u32 s1, s0  }
0xbc: {  	s0 =	sadd.s32 $0x8F2B, s0  }
0xbd: {  	[sflag:s0] =	ssyncadd.remote.s32 $0x1  }
0xbe: {  	_ =	sfence.sel $0xFFFF  }
0xbf: {  	[dreg:$0x0] =	wrdreg $0xFFFFFFFF;
	(pc) =	sbr.abs _section_cstart, $3  }
0xc0: {  	[dreg:$0x1] =	wrdreg $0xFFFFFFFF  }
0xc1: {  	_ =	task.clear_ibuf [dreg:s7], $0x2FFFF;
	_ =	strace $0x9FFFFFFF  }
0xc2: {  	(tm) =	ssettm $0x7FFFFFFF  }
0xc3: {  	_ =	shalt  }
tec
execute0_lowered:
.L_overlay_start_1:
0x0: {  	(tag) =	ssettag $0x1  }
0x1: {  	s1 =	srdreg.scid;
	s5 =	rddreg [dreg:$0x0]  }
0x2: {  	s0 =	stileid.u32;
	s2 =	rddreg [dreg:$0x1];
	s6 =	simm.s32 $0x1  }
0x3: {  	s9 =	simm.s32 $0x1;
	s10 =	simm.s32 $0x3;
	s1 =	sshll.u32 s1, $0x7  }
0x4: {  	s13 =	simm.s32 $0x0;
	s3 =	sshll.u32 s0, $0x8;
	s4 =	sand.u32 $0x80, s1  }
0x5: {  	s12 =	simm.s32 $0x0;
	s1 =	rddreg [dreg:$0x2];
	s3 =	sor.u32 s3, s4  }
0x6: {  	_ =	strace $0x80000047;
	s4 =	sadd.s32 $0x400, s5;
	s8 =	ssub.s32 $0x2000, s3  }
.Ltmp0:
0x7: {  	s5 =	sadd.s32 $0x800, s5;
	s7 =	sand.u32 $0xF80, s8;
	(pc) =	sbr.rel .LBB2_1-.Ltmp0, $4  }
0x8: {  	[sflag:s6] =	ssyncpa.u1 $0x0;
	s11 =	smov.u32 s3;
	p0 =	sne.s32 s7, $0x0  }
0x9: {  	s8 =	sshrl.u32 s8, $0xC;
	s7 =	simm.s32 $0x2;
	s9 =	simm.s32 @!p0 $0x0  }
0xa: {  	[sflag:s7] =	ssyncpa.u1 $0x0;
	p0 =	por $0x0, $0x0;
	s8 =	sadd.s32 s9, s8  }
0xb: {  	vm0 =	vmmov $0xffff;
	[sflag:s10] =	ssyncpa.u1 $0x0;
	s10 =	simm.s32 $0x0;
	s9 =	sadd.s32 $0x1, s8  }
.LBB2_4:
0xc: {  	v2 =	vnsel vm1, $0x0, v2  }
0xd: {  	vm1 =	vgt.s32 v0, $0x0;
	v2 =	vmin.u32 v2, $0x1FFF  }
0xe: {  	v0 =	vnsel vm1, $0x0, v0  }
0xf: {  	v0 =	vmin.u32 v0, $0x1FFF  }
0x10: {  	[tilespmem:s15], [sflag:$0x1] =	stream.indirect_vreg.gather [hbm4b:s4+s10], $0x1, v1, vm0, $0x4038;
	[tilespmem:$0x200] =	vst v63  }
0x11: {  	(ifvalue) =	ssetifvalue $0x7FFFFFFF  }
0x12: {  	[tilespmem:s16], [sflag:$0x1] =	stream.indirect_vreg.gather [hbm4b:s4+s10], $0x1, v2, vm0, $0x4038;
	[tilespmem:$0x200] =	vst v63  }
0x13: {  	s29 =	sadd.s32 $0x10, s16;
	(ifvalue) =	ssetifvalue $0x7FFFFFFF  }
0x14: {  	[tilespmem:s29], [sflag:$0x1] =	stream.indirect_vreg.gather [hbm4b:s4+s10], $0x1, v0, vm0, $0x4038;
	[tilespmem:$0x200] =	vst v63  }
0x15: {  	_ =	swait.ge [sflag:s6], $0x80  }
0x16: {  	s30 =	sshrl.u32 s13, $0x3;
	[sflag:s6] =	ssyncset.done $0x0  }
0x17: {  	s31 =	sand.u32 $0x7, s13;
	s15 =	sadd.s32 s5, s30;
	[sflag:s6] =	ssyncadd.s32 $0xFFFFFF80  }
0x18: {  	[hbm4b:s15+s31] =	stream.linear.scatter [tilespmem:s14], [sflag:$0x3], $0x80, $0x38;
	[tilespmem:$0x200] =	vst v63  }
.LBB2_5:
0x19: {  	s15 =	sadd.s32 $0x1000, s11  }
0x1a: {  	p2 =	sgt.s32 s15, $0x1FFF  }
0x1b: {  	s15 =	smov.u32 @p2 s3;
	p2 =	sne.s32 s12, s9  }
.Ltmp1:
0x1c: {  	p1 =	slt.u32 s12, $0x2;
	(pc) =	sbr.rel @!p2 .LBB2_6-.Ltmp1, $4  }
0x1d: {  	s14 =	simm.s32 @!p1 $0x3  }
0x1e: {  	s16 =	sadd.s32 $0x1, s12;
	_ =	swait.ge @!p1 [sflag:s14], $0x80  }
0x1f: {  	s13 =	smov.u32 s11;
	p0 =	por !p0, !p0;
	[sflag:s14] =	ssyncset.done @!p1 $0x0  }
0x20: {  	s12 =	smov.u32 s16;
	s11 =	smov.u32 s15;
	[sflag:s14] =	ssyncadd.s32 @!p1 $0xFFFFFF80  }
.LBB2_1:
0x21: {  	p1 =	sge.u32 s12, s8  }
0x22: {  	s14 =	sxor.u32 @!p1 $0xFFFFFFFF, s12  }
0x23: {  	s31 =	sadd.s32 $0xFFFFFFFF, s12;
	s15 =	sshrl.u32 @!p1 s11, $0x3;
	s14 =	sshll.u32 @!p1 s14, $0x7  }
0x24: {  	s16 =	sand.u32 @!p1 $0x7, s11;
	s15 =	sadd.s32 @!p1 s2, s15;
	s14 =	sand.u32 @!p1 $0x80, s14  }
0x25: {  	[tilespmem:s14], [sflag:$0x2] =	stream.linear.gather @!p1 [hbm4b:s15+s16], $0x80, $0x38;
	[tilespmem:$0x200] =	vst v63  }
0x26: {  	p1 =	sge.u32 s31, s8  }
.Ltmp2:
0x27: {  	_ = 	snop;
	(pc) =	sbr.rel @p1 .LBB2_5-.Ltmp2, $1  }
0x28: {  	_ =	sdelay $0x3  }
0x29: {  	s14 =	simm.s32 $0x1  }
0x2a: {  	_ =	swait.ge [sflag:s7], $0x80;
	s14 =	simm.s32 @!p0 $0x0  }
0x2b: {  	[sflag:s7] =	ssyncset.done $0x0;
	s14 =	sshll.u32 s14, $0x7  }
0x2c: {  	[sflag:s7] =	ssyncadd.s32 $0xFFFFFF80;
	(ifvalue) =	ssetifvalue $0x7FFFFFFF;
	v0 =	vld.msk [tilespmem:s14+$0x0 ss:$0x1], $0xffff;
	_ =	sdelay $0x4  }
0x2d: {  	s15 =	sadd.s32 $0x10, s14;
	vm1 =	vgt.s32 v0, $0x0  }
0x2e: {  	v2 =	vld.msk [tilespmem:s15+$0x0 ss:$0x1], $0xffff;
	v1 =	vnsel vm1, $0x0, v0  }
0x2f: {  	v1 =	vmin.u32 v1, $0x1FFF;
	_ =	sdelay $0x1  }
0x30: {  	s16 =	sshll.u32 s12, $0x7;
	s18 =	simm.s32 $0x20  }
0x31: {  	s16 =	sand.u32 $0x80, s16;
	s17 =	sadd.s32 $0x10, s15;
	s15 =	sor.u32 $0x100, s14  }
0x32: {  	s14 =	sor.u32 $0x100, s16;
	s16 =	sadd.s32 $0x10, s15;
	v0 =	vld.msk [tilespmem:s17+$0x0 ss:$0x1], $0xffff;
	vm1 =	vgt.s32 v2, $0x0;
	(ifvalue) =	ssetifvalue $0x7FFFFFFF  }
.LBB2_3:
0x33: {  	[tilespmem:s15], [sflag:$0x1] =	stream.indirect_vreg.gather [hbm4b:s4+s10], $0x1, v1, vm0, $0x4038;
	[tilespmem:$0x200] =	vst v63  }
0x34: {  	s18 =	sadd.s32 $0x10, s18  }
0x35: {  	v2 =	vnsel vm1, $0x0, v2;
	p1 =	slt.u32 s18, $0x70  }
.Ltmp3:
0x36: {  	s15 =	smov.u32 s16;
	v1 =	vmin.u32 v2, $0x1FFF;
	(pc) =	sbr.rel @p1 .LBB2_3-.Ltmp3, $3  }
0x37: {  	_ =	sdelay $0x1  }
0x38: {  	s17 =	sadd.s32 $0x10, s17  }
0x39: {  	vm1 =	vgt.s32 v0, $0x0;
	s16 =	sadd.s32 $0x10, s16;
	v2 =	vmov v0;
	(ifvalue) =	ssetifvalue $0x7FFFFFFF;
	v0 =	vld.msk [tilespmem:s17+$0x0 ss:$0x1], $0xffff  }
.Ltmp4:
0x3a: {  	_ = 	snop;
	(pc) =	sbr.rel .LBB2_4-.Ltmp4, $1  }
0x3b: {  	_ =	sdelay $0x3  }
.LBB2_6:
0x3c: {  	_ =	sfence.sel $0x180000  }
0x3d: {  	s2 =	simm.s32 $0x2;
	[bflag:$0x0] =	sbarrier.arrive $0xFFFF  }
0x3e: {  	s30 =	simm.s32 $0x3;
	[sflag:s2] =	ssyncpa.u1 $0x1  }
0x3f: {  	s31 =	simm.s32 $0x1;
	[sflag:s30] =	ssyncpa.u1 $0x1  }
0x40: {  	[sflag:s31] =	ssyncpa.u1 $0x1  }
0x41: {  	p0 =	sne.s32 s0, $0x0;
	_ =	strace $0x90000047  }
0x42: {  	s0 =	sadd.s32 @!p0 $0x100000, s1;
	[bflag:$0x2] =	sbarrier.arrive $0xFFFF  }
0x43: {  	[sflag:s0] =	ssyncadd.tile.s32 @!p0 $0x1;
	_ =	shalt  }
.Lfunc_end2:
_tile_overlayer_lowered:
.L_overlay_start_2:
0x44: {  	(tag) =	ssettag $0x2  }
0x45: {  	s0 =	rddreg [dreg:$0x0];
	s2 =	stileid.u32  }
0x46: {  	s1 =	rddreg [dreg:$0x1];
	p0 =	sne.s32 s2, $0x0  }
0x47: {  	s3 =	rddreg [dreg:$0x2];
	[bflag:$0x3] =	sbarrier.arrive $0xFFFF;
	s2 =	simm.s32 @!p0 $0x1C01  }
0x48: {  	[timem:s3], [sflag:s2] =	dma.local @!p0 [hbm:s0], s1  }
0x49: {  	s0 =	simm.s32 @!p0 $0x1  }
0x4a: {  	_ =	swait.ge @!p0 [sflag:s0], s1  }
0x4b: {  	s1 =	ssub.s32 @!p0 $0x0, s1;
	[sflag:s0] =	ssyncset.done @!p0 $0x0  }
0x4c: {  	[sflag:s0] =	ssyncadd.s32 @!p0 s1  }
0x4d: {  	[bflag:$0x3] =	sbarrier.arrive $0xFFFF  }
0x4e: {  	_ =	shalt  }

// kernel: kernel.5.cloned.1.call-start
scs
__scs_entry_jumppad:
0x0: {  	(pc) =	sbr.rel $0x88, $3  }
0x1: {  	(tag) =	ssettag $0x0;
	lr =	simm.s32 $0x1  }
0x2: {  	[smem:$0x3F9B] =	sst lr;
	_ =	strace $0xD0000000  }
0x3: {  	_ = 	snop  }
0x4: {  	_ = 	snop  }
0x5: {  	_ = 	snop  }
0x6: {  	_ = 	snop  }
0x7: {  	_ = 	snop  }
__scs_overlays_trampoline_lowered:
0x8: {  	[smem:$0x3FAA] =	sst s0  }
0x9: {  	[smem:$0x3FAB] =	sst s1  }
0xa: {  	[smem:$0x3FAC] =	sst s2  }
0xb: {  	[smem:$0x3FAD] =	sst s3  }
0xc: {  	[smem:$0x3FAE] =	sst s4  }
0xd: {  	[smem:$0x3FAF] =	sst s5  }
0xe: {  	[smem:$0x3FB0] =	sst s6  }
0xf: {  	[smem:$0x3FB1] =	sst s7  }
0x10: {  	[smem:$0x3FB2] =	sst s8  }
0x11: {  	[smem:$0x3FB3] =	sst s9;
	s0 =	simm.s32 @!p0 $0x0  }
0x12: {  	s1 =	sld [smem:$0x3F99];
	s0 =	simm.s32 @p0 $0x1  }
0x13: {  	[smem:$0x3FB4] =	sst s0;
	s0 =	simm.s32 @!p1 $0x0  }
0x14: {  	s2 =	sld [smem:$0x3F98];
	s0 =	simm.s32 @p1 $0x1  }
0x15: {  	[smem:$0x3FB5] =	sst s0;
	s0 =	simm.s32 @!p2 $0x0  }
0x16: {  	s3 =	sld [smem:$0x3FDB];
	s0 =	simm.s32 @p2 $0x1  }
0x17: {  	s4 =	simm.s32 $0x1BF5;
	[smem:$0x3FB7] =	sst s0  }
0x18: {  	s0 =	sld [smem:$0x3F9A];
	_ =	swait.ge [sflag:s4], $0x0  }
0x19: {  	s7 =	sld [smem:$0x3F9B]  }
0x1a: {  	s8 =	sadd.s32 $0xFFFFE003, lr  }
0x1b: {  	s9 =	sadd.s32 $0xFFFFFEF7, lr;
	s5 =	simm.s32 $0xFFFFFFFF;
	p2 =	slt.u32 s8, $0xFFFFF086  }
0x1c: {  	p1 =	slt.u32 s9, $0xF7A;
	s5 =	simm.s32 @!p2 $0x0  }
0x1d: {  	s5 =	simm.s32 @p1 $0x1;
	p0 =	seq.s32 s7, s2  }
0x1e: {  	s7 =	smul.u32 @!p0 $0xF7A, s2;
	p2 =	seq.s32 @!p0 s5, $0x0  }
0x1f: {  	s9 =	smul.u32 $0xF7A, s1;
	s8 =	simm.s32 @!p0 $0x1BF5;
	p2 =	por !p2, p0  }
0x20: {  	[sflag:s8] =	ssyncset.s32 @!p0 $0xFFFFF086;
	s6 =	sadd.s32 @!p0 s3, s7;
	s7 =	simm.s32 @!p0 $0x108  }
0x21: {  	s3 =	sadd.s32 s3, s9;
	s6 =	sadd.s32 @!p0 $0x88, s6;
	s7 =	simm.s32 @p2 $0x1082  }
0x22: {  	[simem:s7], [sflag:s8] =	dma.local @!p0 [hbm:s6], $0xF7A  }
0x23: {  	s9 =	sor.u32 $0xD0000000, s2;
	s6 =	simm.s32 $0x108;
	_ =	swait.ge @!p0 [sflag:s8], $0x0  }
0x24: {  	s3 =	sadd.s32 $0x88, s3;
	s6 =	simm.s32 @!p1 $0x1082;
	[sflag:s4] =	ssyncset.s32 $0xFFFFF086  }
0x25: {  	[simem:s6], [sflag:s4] =	dma.local [hbm:s3], $0xF7A  }
0x26: {  	[smem:$0x3F9B] =	sst s1;
	(tag) =	ssettag s2;
	_ =	strace s9  }
0x27: {  	s1 =	sld [smem:$0x3FAB]  }
0x28: {  	s2 =	sld [smem:$0x3FAC]  }
0x29: {  	s4 =	sld [smem:$0x3FAE]  }
0x2a: {  	p0 =	seq.s32 s5, $0x0;
	s5 =	sld [smem:$0x3FAF]  }
0x2b: {  	s6 =	sld [smem:$0x3FB0]  }
0x2c: {  	s7 =	sld [smem:$0x3FB1]  }
0x2d: {  	s3 =	simm.s32 $0x108;
	s8 =	sld [smem:$0x3FB2]  }
0x2e: {  	s3 =	simm.s32 @!p0 $0x1082;
	s9 =	sld [smem:$0x3FB3]  }
0x2f: {  	lr =	sadd.s32 s0, s3;
	s0 =	sld [smem:$0x3FAA]  }
0x30: {  	s3 =	sld [smem:$0x3FAD]  }
0x31: {  	[smem:$0x3FB6] =	sst s10  }
0x32: {  	s10 =	sld [smem:$0x3FB4];
	_ =	sdelay $0x3  }
0x33: {  	p0 =	seq.s32 s10, $0x1;
	s10 =	sld [smem:$0x3FB6];
	_ =	sdelay $0x3  }
0x34: {  	[smem:$0x3FB6] =	sst s10  }
0x35: {  	s10 =	sld [smem:$0x3FB5];
	_ =	sdelay $0x3  }
0x36: {  	p1 =	seq.s32 s10, $0x1;
	s10 =	sld [smem:$0x3FB6];
	_ =	sdelay $0x3  }
0x37: {  	[smem:$0x3FB6] =	sst s10  }
0x38: {  	s10 =	sld [smem:$0x3FB7]  }
0x39: {  	_ = 	snop;
	(pc) =	sbr.ind lr, $3  }
0x3a: {  	_ = 	snop  }
0x3b: {  	_ = 	snop  }
0x3c: {  	p2 =	seq.s32 s10, $0x1;
	s10 =	sld [smem:$0x3FB6]  }
0x3d: {  	_ =	shalt  }
0x3e: {  	_ =	shalt  }
0x3f: {  	_ =	shalt  }
0x40: {  	_ =	shalt  }
0x41: {  	_ =	shalt  }
0x42: {  	_ =	shalt  }
0x43: {  	_ =	shalt  }
0x44: {  	_ =	shalt  }
0x45: {  	_ =	shalt  }
0x46: {  	_ =	shalt  }
0x47: {  	_ =	shalt  }
0x48: {  	_ =	shalt  }
0x49: {  	_ =	shalt  }
0x4a: {  	_ =	shalt  }
0x4b: {  	_ =	shalt  }
0x4c: {  	_ =	shalt  }
0x4d: {  	_ =	shalt  }
0x4e: {  	_ =	shalt  }
0x4f: {  	_ =	shalt  }
0x50: {  	_ =	shalt  }
0x51: {  	_ =	shalt  }
0x52: {  	_ =	shalt  }
0x53: {  	_ =	shalt  }
0x54: {  	_ =	shalt  }
0x55: {  	_ =	shalt  }
0x56: {  	_ =	shalt  }
0x57: {  	_ =	shalt  }
0x58: {  	_ =	shalt  }
0x59: {  	_ =	shalt  }
0x5a: {  	_ =	shalt  }
0x5b: {  	_ =	shalt  }
0x5c: {  	_ =	shalt  }
0x5d: {  	_ =	shalt  }
0x5e: {  	_ =	shalt  }
0x5f: {  	_ =	shalt  }
0x60: {  	_ =	shalt  }
0x61: {  	_ =	shalt  }
0x62: {  	_ =	shalt  }
0x63: {  	_ =	shalt  }
0x64: {  	_ =	shalt  }
0x65: {  	_ =	shalt  }
0x66: {  	_ =	shalt  }
0x67: {  	_ =	shalt  }
0x68: {  	_ =	shalt  }
0x69: {  	_ =	shalt  }
0x6a: {  	_ =	shalt  }
0x6b: {  	_ =	shalt  }
0x6c: {  	_ =	shalt  }
0x6d: {  	_ =	shalt  }
0x6e: {  	_ =	shalt  }
0x6f: {  	_ =	shalt  }
0x70: {  	_ =	shalt  }
0x71: {  	_ =	shalt  }
0x72: {  	_ =	shalt  }
0x73: {  	_ =	shalt  }
0x74: {  	_ =	shalt  }
0x75: {  	_ =	shalt  }
0x76: {  	_ =	shalt  }
0x77: {  	_ =	shalt  }
0x78: {  	_ =	shalt  }
0x79: {  	_ =	shalt  }
0x7a: {  	_ =	shalt  }
0x7b: {  	_ =	shalt  }
0x7c: {  	_ =	shalt  }
0x7d: {  	_ =	shalt  }
0x7e: {  	_ =	shalt  }
0x7f: {  	_ =	shalt  }
0x80: {  	_ =	shalt  }
0x81: {  	_ =	shalt  }
0x82: {  	_ =	shalt  }
0x83: {  	_ =	shalt  }
0x84: {  	_ =	shalt  }
0x85: {  	_ =	shalt  }
0x86: {  	_ =	shalt  }
0x87: {  	_ =	shalt  }
.Lfunc_end0:
.L_simem_size_0:
called_computation.1_lowered:
.L_overlay_start_0:
0x88: {  	s2 =	sld [smem:$0x3FD9]  }
0x89: {  	s3 =	sld [smem:$0x3FFE];
	_ =	sdelay $0x1  }
0x8a: {  	s1 =	srdreg.scid  }
0x8b: {  	s0 =	sand.u32 $0x1, s1  }
0x8c: {  	s17 =	sshll.u32 s0, $0xA;
	s2 =	sadd.s32 s3, s2  }
0x8d: {  	s2 =	sadd.s32 s2, s17  }
0x8e: {  	[smem:$0x3FC2] =	sst s2  }
0x8f: {  	_ = 	snop  }
0x90: {  	s18 =	sld [smem:$0x3FC9];
	(tm) =	ssettm $0x1  }
0x91: {  	s19 =	sld [smem:$0x3FFB];
	_ =	sdelay $0x3  }
0x92: {  	_ =	strace s19  }
0x93: {  	s2 =	sld [smem:$0x3FFC];
	_ =	sdelay $0x3  }
0x94: {  	_ =	strace s2  }
0x95: {  	s2 =	sld [smem:$0x3FFD];
	_ =	sdelay $0x3  }
0x96: {  	_ =	strace s2  }
0x97: {  	_ =	strace $0x8FFFFFFF  }
0x98: {  	s20 =	sld [smem:$0x3FDB];
	_ =	sdelay $0x1  }
0x99: {  	s4 =	simm.s32 $_scs_section_size  }
0x9a: {  	s5 =	simm.s32 $_size__tile_overlayer_lowered;
	s6 =	simm.s32 $_tile_overlayer_lowered  }
0x9b: {  	s7 =	simm.s32 $0x1BFF;
	s21 =	sshll.u32 s6, $0x1;
	s4 =	sadd.s32 s4, s20  }
0x9c: {  	s22 =	simm.s32 $0x0;
	s5 =	sshll.u32 s5, $0x1;
	s6 =	sadd.s32 s21, s4  }
0x9d: {  	[timem:s22], [sflag:s7] =	dma.local [hbm:s6], s5  }
0x9e: {  	_ =	swait.ge [sflag:s7], s5  }
0x9f: {  	s5 =	ssub.s32 $0x0, s5;
	[sflag:s7] =	ssyncset.done $0x0  }
0xa0: {  	[sflag:s7] =	ssyncadd.s32 s5;
	_ =	sdelay $0x1  }
0xa1: {  	s23 =	simm.s32 $0x1B8B  }
0xa2: {  	_ =	swait.ge [sflag:s23], $0x1  }
0xa3: {  	[sflag:s23] =	ssyncset.done $0x0  }
0xa4: {  	[sflag:s23] =	ssyncadd.s32 $0xFFFFFFFF  }
0xa5: {  	s5 =	sld [smem:$0x0]  }
0xa6: {  	s6 =	sand.u32 $0xFFFFFFFE, s1  }
0xa7: {  	p0 =	sne.s32 s1, s6  }
0xa8: {  	s6 =	sshll.u32 @p0 s6, $0xE  }
0xa9: {  	s6 =	sadd.s32 @p0 $0x11B8D, s6;
	s7 =	sshll.u32 @p0 s5, $0x11  }
0xaa: {  	s6 =	sor.u32 @p0 s7, s6  }
0xab: {  	[sflag:s6] =	ssyncadd.remote.s32 @p0 $0x1;
	_ =	sdelay $0x1  }
0xac: {  	s6 =	simm.s32 @p0 $0x1B8D  }
0xad: {  	_ =	swait.eq @p0 [sflag:s6], $0x1  }
0xae: {  	[sflag:s6] =	ssyncadd.s32 @p0 $0xFFFFFFFF  }
0xaf: {  	s7 =	sshll.u32 @!p0 s1, $0xE  }
0xb0: {  	s7 =	sor.u32 @!p0 $0x4000, s7;
	s6 =	simm.s32 @!p0 $0x1B8D  }
0xb1: {  	s5 =	sshll.u32 @!p0 s5, $0x11;
	s7 =	sadd.s32 @!p0 $0x11B8D, s7;
	_ =	swait.eq @!p0 [sflag:s6], $0x1  }
0xb2: {  	s5 =	sor.u32 @!p0 s5, s7;
	[sflag:s6] =	ssyncadd.s32 @!p0 $0xFFFFFFFF  }
0xb3: {  	s25 =	simm.s32 $0x1B8E;
	s24 =	sld [smem:$0x3FFE];
	[sflag:s5] =	ssyncadd.remote.s32 @!p0 $0x1  }
0xb4: {  	s26 =	simm.s32 $execute0_lowered;
	[smem:$0x3FD2] =	sst s25  }
0xb5: {  	s6 =	sshll.u32 s26, $0x1;
	_ =	strace $0x80000049;
	[dreg:$0x1] =	wrdreg $0xFFFFFFFF  }
0xb6: {  	s28 =	simm.s32 $_size_execute0_lowered;
	s4 =	sadd.s32 s4, s6;
	[dreg:$0x0] =	wrdreg $0x0  }
0xb7: {  	s6 =	sshll.u32 s28, $0x1;
	[dreg:$0x2] =	wrdreg s4  }
0xb8: {  	[dreg:$0x3] =	wrdreg s6  }
0xb9: {  	[dreg:$0x4] =	wrdreg $0xC0  }
0xba: {  	_ =	task [dreg:s22], $0x5FFFF  }
0xbb: {  	[dreg:$0x1] =	wrdreg $0xFFFFFFFF  }
0xbc: {  	[dreg:$0x0] =	wrdreg $0x60  }
0xbd: {  	[dreg:$0x2] =	wrdreg s18  }
0xbe: {  	[dreg:$0x3] =	wrdreg s24  }
0xbf: {  	[dreg:$0x4] =	wrdreg $0xA  }
0xc0: {  	_ =	task.clear_ibuf [dreg:s22], $0x5FFFF;
	_ =	strace $0x90000049  }
0xc1: {  	s29 =	simm.s32 $0xA;
	_ =	strace $0x8000004B  }
0xc2: {  	_ =	swait.ge [sflag:s29], $0x1  }
0xc3: {  	[sflag:s29] =	ssyncadd.s32 $0xFFFFFFFF  }
0xc4: {  	_ =	strace $0x9000004B  }
0xc5: {  	_ =	sfence  }
0xc6: {  	s30 =	sld [smem:$0x0];
	_ =	sdelay $0x2  }
0xc7: {  	s31 =	sshll.u32 s1, $0xD;
	s1 =	sshrl.u32 s1, $0x2  }
0xc8: {  	s4 =	sand.u32 $0x4000, s31;
	s1 =	sadd.s32 s1, s30  }
0xc9: {  	s0 =	sor.u32 s4, s0;
	s1 =	sshll.u32 s1, $0x11  }
0xca: {  	s0 =	sor.u32 s1, s0  }
0xcb: {  	s0 =	sadd.s32 $0x8F2B, s0  }
0xcc: {  	[sflag:s0] =	ssyncadd.remote.s32 $0x1  }
0xcd: {  	_ =	sfence.sel $0xFFFF  }
0xce: {  	[dreg:$0x0] =	wrdreg $0xFFFFFFFF;
	(pc) =	sbr.abs _section_cstart, $3  }
0xcf: {  	[dreg:$0x1] =	wrdreg $0xFFFFFFFF  }
0xd0: {  	_ =	task.clear_ibuf [dreg:s22], $0x2FFFF;
	_ =	strace $0x9FFFFFFF  }
0xd1: {  	(tm) =	ssettm $0x7FFFFFFF  }
tec
execute0_lowered:
.L_overlay_start_1:
0x0: {  	(tag) =	ssettag $0x1  }
0x1: {  	s2 =	rddreg [dreg:$0x0]  }
0x2: {  	s0 =	rddreg [dreg:$0x1];
	s3 =	simm.s32 $0x0  }
0x3: {  	s6 =	stileid.u32;
	s1 =	srdreg.scid;
	s21 =	simm.s32 $0x880  }
0x4: {  	s23 =	simm.s32 $0x1080;
	s24 =	simm.s32 $0x1880;
	s26 =	simm.s32 $0x2080  }
0x5: {  	s10 =	simm.s32 $0x2880;
	s11 =	simm.s32 $0x3080;
	s12 =	simm.s32 $0x3880  }
0x6: {  	s13 =	simm.s32 $0x4080;
	s14 =	simm.s32 $0x4880;
	s15 =	simm.s32 $0x5080  }
0x7: {  	s16 =	simm.s32 $0x5880;
	s17 =	simm.s32 $0x6080;
	s18 =	simm.s32 $0x6880  }
0x8: {  	s19 =	simm.s32 $0x7080;
	s28 =	simm.s32 $0xB080;
	s29 =	simm.s32 $0xB880  }
0x9: {  	s30 =	simm.s32 $0x1;
	s31 =	simm.s32 $0x0;
	[smem:$0x7FF] =	sst s3  }
0xa: {  	s4 =	smul.u32 $0xC000, s6;
	_ =	strace $0x8000004A;
	[dreg:$0x4] =	wrdreg s21  }
0xb: {  	s1 =	sand.u32 $0x1, s1;
	s6 =	sshll.u32 s6, $0x6;
	[dreg:$0x5] =	wrdreg s23  }
0xc: {  	s5 =	ssub.s32 $0x2, s1;
	s9 =	sshll.u32 s1, $0x5;
	[dreg:$0x6] =	wrdreg s24  }
0xd: {  	s1 =	smul.u32 $0x6000, s1;
	[dreg:$0x7] =	wrdreg s26;
	s21 =	simm.s32 $0x8080  }
0xe: {  	s23 =	simm.s32 $0x9080;
	s24 =	simm.s32 $0x9880;
	s26 =	simm.s32 $0xA880  }
0xf: {  	s7 =	sadd.s32 s4, s0;
	s20 =	sshrl.u32 s5, $0x1;
	s0 =	sadd.s32 s6, s0  }
0x10: {  	s4 =	sadd.s32 $0x100, s2;
	s8 =	ssub.s32 s5, s20;
	s5 =	sadd.s32 $0x200, s2  }
0x11: {  	s0 =	sadd.s32 s9, s0;
	s1 =	sadd.s32 s1, s7;
	s9 =	simm.s32 $0x80  }
0x12: {  	v2 =	vlaneseq.u32;
	s20 =	simm.s32 $0x7880;
	[dreg:$0x3] =	wrdreg s0;
	s22 =	smax.u32 s8, $0x1  }
0x13: {  	vm0 =	vmmov $0xffff;
	v1 =	vshrl.u32 v2, $0x3;
	s25 =	sadd.s32 $0xC00, s1;
	s8 =	simm.s32 $0x2;
	[dreg:$0x8] =	wrdreg s22  }
0x14: {  	v0 =	vand.u32 $0x7, v2;
	v2 =	vor.u32 $0x8, v2;
	v1 =	vmul.u32 $0x8, v1;
	[dreg:$0x9] =	wrdreg s25;
	s22 =	simm.s32 $0x8880;
	s25 =	simm.s32 $0xA080  }
.LBB2_1:
0x15: {  	s7 =	rddreg [dreg:$0x9];
	s1 =	simm.s32 $0x0  }
.LBB2_2:
0x16: {  	s6 =	rddreg [dreg:$0x3]  }
0x17: {  	s6 =	sadd.s32 s1, s6  }
0x18: {  	[tilespmem:s3], [sflag:$0x2] =	stream.linear.gather [hbm4b:s6+s3], $0x40, $0x38;
	[tilespmem:$0xC080] =	vst v63  }
0x19: {  	_ =	swait.ge [sflag:s8], $0x40  }
0x1a: {  	[sflag:s8] =	ssyncset.done $0x0  }
0x1b: {  	[sflag:s8] =	ssyncadd.s32 $0xFFFFFFC0  }
0x1c: {  	v3 =	vld [tilespmem:$0x0];
	_ =	sdelay $0x4  }
0x1d: {  	v4 =	vshrl.u32 v3, $0x3  }
0x1e: {  	v4 =	vmul.u32 $0x30, v4  }
0x1f: {  	v3 =	vand.u32 $0x7, v3  }
0x20: {  	v3 =	vor.u32 v3, v4  }
0x21: {  	v4 =	vperm.xlane v3, v0;
	_ =	sdelay $0x1  }
0x22: {  	v4 =	vadd.s32 v1, v4;
	_ =	sdelay $0x3  }
0x23: {  	v3 =	vperm.xlane v3, v2  }
0x24: {  	[tilespmem:s9], [sflag:$0x1] =	stream.indirect_vreg.gather [hbm4b:s2+s3], $0x80, v4, vm0, $0xb8;
	[tilespmem:$0xC080] =	vst v63  }
0x25: {  	s6 =	rddreg [dreg:$0x4];
	v3 =	vadd.s32 v1, v3  }
0x26: {  	[tilespmem:s6], [sflag:$0x1] =	stream.indirect_vreg.gather [hbm4b:s4+s3], $0x80, v4, vm0, $0xb8;
	[tilespmem:$0xC080] =	vst v63  }
0x27: {  	s0 =	rddreg [dreg:$0x5]  }
0x28: {  	[tilespmem:s0], [sflag:$0x1] =	stream.indirect_vreg.gather [hbm4b:s5+s3], $0x80, v4, vm0, $0xb8;
	[tilespmem:$0xC080] =	vst v63  }
0x29: {  	s6 =	rddreg [dreg:$0x6]  }
0x2a: {  	[tilespmem:s6], [sflag:$0x1] =	stream.indirect_vreg.gather [hbm4b:s2+s3], $0x80, v3, vm0, $0xb8;
	[tilespmem:$0xC080] =	vst v63  }
0x2b: {  	s0 =	rddreg [dreg:$0x7]  }
0x2c: {  	[tilespmem:s0], [sflag:$0x1] =	stream.indirect_vreg.gather [hbm4b:s4+s3], $0x80, v3, vm0, $0xb8;
	[tilespmem:$0xC080] =	vst v63  }
0x2d: {  	_ = 	snop  }
0x2e: {  	[tilespmem:s10], [sflag:$0x1] =	stream.indirect_vreg.gather [hbm4b:s5+s3], $0x80, v3, vm0, $0xb8;
	[tilespmem:$0xC080] =	vst v63  }
0x2f: {  	v3 =	vld [tilespmem:$0x10];
	_ =	sdelay $0x4  }
0x30: {  	v61 =	vshrl.u32 v3, $0x3  }
0x31: {  	v4 =	vmul.u32 $0x30, v61  }
0x32: {  	v3 =	vand.u32 $0x7, v3  }
0x33: {  	v3 =	vor.u32 v3, v4  }
0x34: {  	v4 =	vperm.xlane v3, v0;
	_ =	sdelay $0x1  }
0x35: {  	v4 =	vadd.s32 v1, v4;
	_ =	sdelay $0x3  }
0x36: {  	v3 =	vperm.xlane v3, v2  }
0x37: {  	[tilespmem:s11], [sflag:$0x1] =	stream.indirect_vreg.gather [hbm4b:s2+s3], $0x80, v4, vm0, $0xb8;
	[tilespmem:$0xC080] =	vst v63  }
0x38: {  	v3 =	vadd.s32 v1, v3  }
0x39: {  	[tilespmem:s12], [sflag:$0x1] =	stream.indirect_vreg.gather [hbm4b:s4+s3], $0x80, v4, vm0, $0xb8;
	[tilespmem:$0xC080] =	vst v63  }
0x3a: {  	_ = 	snop  }
0x3b: {  	[tilespmem:s13], [sflag:$0x1] =	stream.indirect_vreg.gather [hbm4b:s5+s3], $0x80, v4, vm0, $0xb8;
	[tilespmem:$0xC080] =	vst v63  }
0x3c: {  	_ = 	snop  }
0x3d: {  	[tilespmem:s14], [sflag:$0x1] =	stream.indirect_vreg.gather [hbm4b:s2+s3], $0x80, v3, vm0, $0xb8;
	[tilespmem:$0xC080] =	vst v63  }
0x3e: {  	_ = 	snop  }
0x3f: {  	[tilespmem:s15], [sflag:$0x1] =	stream.indirect_vreg.gather [hbm4b:s4+s3], $0x80, v3, vm0, $0xb8;
	[tilespmem:$0xC080] =	vst v63  }
0x40: {  	_ = 	snop  }
0x41: {  	[tilespmem:s16], [sflag:$0x1] =	stream.indirect_vreg.gather [hbm4b:s5+s3], $0x80, v3, vm0, $0xb8;
	[tilespmem:$0xC080] =	vst v63  }
0x42: {  	v3 =	vld [tilespmem:$0x20];
	_ =	sdelay $0x4  }
0x43: {  	v62 =	vshrl.u32 v3, $0x3  }
0x44: {  	v4 =	vmul.u32 $0x30, v62  }
0x45: {  	v3 =	vand.u32 $0x7, v3  }
0x46: {  	v3 =	vor.u32 v3, v4  }
0x47: {  	v4 =	vperm.xlane v3, v0;
	_ =	sdelay $0x1  }
0x48: {  	v4 =	vadd.s32 v1, v4;
	_ =	sdelay $0x3  }
0x49: {  	v3 =	vperm.xlane v3, v2  }
0x4a: {  	[tilespmem:s17], [sflag:$0x1] =	stream.indirect_vreg.gather [hbm4b:s2+s3], $0x80, v4, vm0, $0xb8;
	[tilespmem:$0xC080] =	vst v63  }
0x4b: {  	v3 =	vadd.s32 v1, v3  }
0x4c: {  	[tilespmem:s18], [sflag:$0x1] =	stream.indirect_vreg.gather [hbm4b:s4+s3], $0x80, v4, vm0, $0xb8;
	[tilespmem:$0xC080] =	vst v63  }
0x4d: {  	_ = 	snop  }
0x4e: {  	[tilespmem:s19], [sflag:$0x1] =	stream.indirect_vreg.gather [hbm4b:s5+s3], $0x80, v4, vm0, $0xb8;
	[tilespmem:$0xC080] =	vst v63  }
0x4f: {  	_ = 	snop  }
0x50: {  	[tilespmem:s20], [sflag:$0x1] =	stream.indirect_vreg.gather [hbm4b:s2+s3], $0x80, v3, vm0, $0xb8;
	[tilespmem:$0xC080] =	vst v63  }
0x51: {  	_ = 	snop  }
0x52: {  	[tilespmem:s21], [sflag:$0x1] =	stream.indirect_vreg.gather [hbm4b:s4+s3], $0x80, v3, vm0, $0xb8;
	[tilespmem:$0xC080] =	vst v63  }
0x53: {  	_ = 	snop  }
0x54: {  	[tilespmem:s22], [sflag:$0x1] =	stream.indirect_vreg.gather [hbm4b:s5+s3], $0x80, v3, vm0, $0xb8;
	[tilespmem:$0xC080] =	vst v63  }
0x55: {  	v3 =	vld [tilespmem:$0x30];
	_ =	sdelay $0x4  }
0x56: {  	v63 =	vshrl.u32 v3, $0x3  }
0x57: {  	v4 =	vmul.u32 $0x30, v63  }
0x58: {  	v3 =	vand.u32 $0x7, v3  }
0x59: {  	v3 =	vor.u32 v3, v4  }
0x5a: {  	v4 =	vperm.xlane v3, v0;
	_ =	sdelay $0x1  }
0x5b: {  	v4 =	vadd.s32 v1, v4;
	_ =	sdelay $0x3  }
0x5c: {  	v3 =	vperm.xlane v3, v2  }
0x5d: {  	[tilespmem:s23], [sflag:$0x1] =	stream.indirect_vreg.gather [hbm4b:s2+s3], $0x80, v4, vm0, $0xb8;
	[tilespmem:$0xC080] =	vst v63  }
0x5e: {  	v3 =	vadd.s32 v1, v3  }
0x5f: {  	[tilespmem:s24], [sflag:$0x1] =	stream.indirect_vreg.gather [hbm4b:s4+s3], $0x80, v4, vm0, $0xb8;
	[tilespmem:$0xC080] =	vst v63  }
0x60: {  	_ = 	snop  }
0x61: {  	[tilespmem:s25], [sflag:$0x1] =	stream.indirect_vreg.gather [hbm4b:s5+s3], $0x80, v4, vm0, $0xb8;
	[tilespmem:$0xC080] =	vst v63  }
0x62: {  	_ = 	snop  }
0x63: {  	[tilespmem:s26], [sflag:$0x1] =	stream.indirect_vreg.gather [hbm4b:s2+s3], $0x80, v3, vm0, $0xb8;
	[tilespmem:$0xC080] =	vst v63  }
0x64: {  	_ = 	snop  }
0x65: {  	[tilespmem:s28], [sflag:$0x1] =	stream.indirect_vreg.gather [hbm4b:s4+s3], $0x80, v3, vm0, $0xb8;
	[tilespmem:$0xC080] =	vst v63  }
0x66: {  	_ = 	snop  }
0x67: {  	[tilespmem:s29], [sflag:$0x1] =	stream.indirect_vreg.gather [hbm4b:s5+s3], $0x80, v3, vm0, $0xb8;
	[tilespmem:$0xC080] =	vst v63  }
0x68: {  	_ =	swait.ge [sflag:s30], $0xC000  }
0x69: {  	p0 =	sne.s32 s1, $0x18;
	[sflag:s30] =	ssyncset.done $0x0  }
.Ltmp0:
0x6a: {  	[sflag:s30] =	ssyncadd.s32 $0xFFFF4000;
	(pc) =	sbr.rel @p0 .LBB2_2-.Ltmp0, $4  }
0x6b: {  	[hbm4b:s7+s3] =	stream.linear.scatter [tilespmem:s9], [sflag:$0x2], $0xC000, $0x38;
	[tilespmem:$0xC080] =	vst v63  }
0x6c: {  	_ =	swait.ge [sflag:s8], $0xC000  }
0x6d: {  	[sflag:s8] =	ssyncset.done $0x0  }
0x6e: {  	s1 =	sadd.s32 $0x8, s1;
	s7 =	sadd.s32 $0x1800, s7;
	[sflag:s8] =	ssyncadd.s32 $0xFFFF4000  }
0x6f: {  	s31 =	sadd.s32 $0x1, s31;
	s0 =	rddreg [dreg:$0x8]  }
0x70: {  	p0 =	sne.s32 s31, s0  }
.Ltmp1:
0x71: {  	_ = 	snop;
	(pc) =	sbr.rel @p0 .LBB2_1-.Ltmp1, $1  }
0x72: {  	_ =	sdelay $0x3  }
0x73: {  	_ =	sfence.sel $0x180000  }
0x74: {  	[bflag:$0x0] =	sbarrier.arrive $0xFFFF  }
0x75: {  	_ =	strace $0x9000004A  }
0x76: {  	s0 =	stileid.u32;
	[bflag:$0x2] =	sbarrier.arrive $0xFFFF  }
0x77: {  	p0 =	sne.s32 s0, $0x0;
	s0 =	rddreg [dreg:$0x2]  }
0x78: {  	s0 =	sadd.s32 @!p0 $0x100000, s0  }
0x79: {  	[sflag:s0] =	ssyncadd.tile.s32 @!p0 $0x1;
	_ =	shalt  }
.Lfunc_end2:
_tile_overlayer_lowered:
.L_overlay_start_2:
0x7a: {  	(tag) =	ssettag $0x2  }
0x7b: {  	s0 =	rddreg [dreg:$0x0];
	s2 =	stileid.u32  }
0x7c: {  	s1 =	rddreg [dreg:$0x1];
	p0 =	sne.s32 s2, $0x0  }
0x7d: {  	s3 =	rddreg [dreg:$0x2];
	[bflag:$0x3] =	sbarrier.arrive $0xFFFF;
	s2 =	simm.s32 @!p0 $0x1C02  }
0x7e: {  	[timem:s3], [sflag:s2] =	dma.local @!p0 [hbm:s0], s1  }
0x7f: {  	s0 =	simm.s32 @!p0 $0x2  }
0x80: {  	_ =	swait.ge @!p0 [sflag:s0], s1  }
0x81: {  	s1 =	ssub.s32 @!p0 $0x0, s1;
	[sflag:s0] =	ssyncset.done @!p0 $0x0  }
0x82: {  	[sflag:s0] =	ssyncadd.s32 @!p0 s1  }
0x83: {  	[bflag:$0x3] =	sbarrier.arrive $0xFFFF  }
0x84: {  	_ =	shalt  }

// kernel: kernel.8.cloned.1.call-start
scs
__scs_entry_jumppad:
0x0: {  	(pc) =	sbr.rel $0x88, $3  }
0x1: {  	(tag) =	ssettag $0x0;
	lr =	simm.s32 $0x1  }
0x2: {  	[smem:$0x3F9B] =	sst lr;
	_ =	strace $0xD0000000  }
0x3: {  	_ = 	snop  }
0x4: {  	_ = 	snop  }
0x5: {  	_ = 	snop  }
0x6: {  	_ = 	snop  }
0x7: {  	_ = 	snop  }
__scs_overlays_trampoline_lowered:
0x8: {  	[smem:$0x3FAA] =	sst s0  }
0x9: {  	[smem:$0x3FAB] =	sst s1  }
0xa: {  	[smem:$0x3FAC] =	sst s2  }
0xb: {  	[smem:$0x3FAD] =	sst s3  }
0xc: {  	[smem:$0x3FAE] =	sst s4  }
0xd: {  	[smem:$0x3FAF] =	sst s5  }
0xe: {  	[smem:$0x3FB0] =	sst s6  }
0xf: {  	[smem:$0x3FB1] =	sst s7  }
0x10: {  	[smem:$0x3FB2] =	sst s8  }
0x11: {  	[smem:$0x3FB3] =	sst s9;
	s0 =	simm.s32 @!p0 $0x0  }
0x12: {  	s1 =	sld [smem:$0x3F99];
	s0 =	simm.s32 @p0 $0x1  }
0x13: {  	[smem:$0x3FB4] =	sst s0;
	s0 =	simm.s32 @!p1 $0x0  }
0x14: {  	s2 =	sld [smem:$0x3F98];
	s0 =	simm.s32 @p1 $0x1  }
0x15: {  	[smem:$0x3FB5] =	sst s0;
	s0 =	simm.s32 @!p2 $0x0  }
0x16: {  	s3 =	sld [smem:$0x3FDB];
	s0 =	simm.s32 @p2 $0x1  }
0x17: {  	s4 =	simm.s32 $0x1BF5;
	[smem:$0x3FB7] =	sst s0  }
0x18: {  	s0 =	sld [smem:$0x3F9A];
	_ =	swait.ge [sflag:s4], $0x0  }
0x19: {  	s7 =	sld [smem:$0x3F9B]  }
0x1a: {  	s8 =	sadd.s32 $0xFFFFE003, lr  }
0x1b: {  	s9 =	sadd.s32 $0xFFFFFEF7, lr;
	s5 =	simm.s32 $0xFFFFFFFF;
	p2 =	slt.u32 s8, $0xFFFFF086  }
0x1c: {  	p1 =	slt.u32 s9, $0xF7A;
	s5 =	simm.s32 @!p2 $0x0  }
0x1d: {  	s5 =	simm.s32 @p1 $0x1;
	p0 =	seq.s32 s7, s2  }
0x1e: {  	s7 =	smul.u32 @!p0 $0xF7A, s2;
	p2 =	seq.s32 @!p0 s5, $0x0  }
0x1f: {  	s9 =	smul.u32 $0xF7A, s1;
	s8 =	simm.s32 @!p0 $0x1BF5;
	p2 =	por !p2, p0  }
0x20: {  	[sflag:s8] =	ssyncset.s32 @!p0 $0xFFFFF086;
	s6 =	sadd.s32 @!p0 s3, s7;
	s7 =	simm.s32 @!p0 $0x108  }
0x21: {  	s3 =	sadd.s32 s3, s9;
	s6 =	sadd.s32 @!p0 $0x88, s6;
	s7 =	simm.s32 @p2 $0x1082  }
0x22: {  	[simem:s7], [sflag:s8] =	dma.local @!p0 [hbm:s6], $0xF7A  }
0x23: {  	s9 =	sor.u32 $0xD0000000, s2;
	s6 =	simm.s32 $0x108;
	_ =	swait.ge @!p0 [sflag:s8], $0x0  }
0x24: {  	s3 =	sadd.s32 $0x88, s3;
	s6 =	simm.s32 @!p1 $0x1082;
	[sflag:s4] =	ssyncset.s32 $0xFFFFF086  }
0x25: {  	[simem:s6], [sflag:s4] =	dma.local [hbm:s3], $0xF7A  }
0x26: {  	[smem:$0x3F9B] =	sst s1;
	(tag) =	ssettag s2;
	_ =	strace s9  }
0x27: {  	s1 =	sld [smem:$0x3FAB]  }
0x28: {  	s2 =	sld [smem:$0x3FAC]  }
0x29: {  	s4 =	sld [smem:$0x3FAE]  }
0x2a: {  	p0 =	seq.s32 s5, $0x0;
	s5 =	sld [smem:$0x3FAF]  }
0x2b: {  	s6 =	sld [smem:$0x3FB0]  }
0x2c: {  	s7 =	sld [smem:$0x3FB1]  }
0x2d: {  	s3 =	simm.s32 $0x108;
	s8 =	sld [smem:$0x3FB2]  }
0x2e: {  	s3 =	simm.s32 @!p0 $0x1082;
	s9 =	sld [smem:$0x3FB3]  }
0x2f: {  	lr =	sadd.s32 s0, s3;
	s0 =	sld [smem:$0x3FAA]  }
0x30: {  	s3 =	sld [smem:$0x3FAD]  }
0x31: {  	[smem:$0x3FB6] =	sst s10  }
0x32: {  	s10 =	sld [smem:$0x3FB4];
	_ =	sdelay $0x3  }
0x33: {  	p0 =	seq.s32 s10, $0x1;
	s10 =	sld [smem:$0x3FB6];
	_ =	sdelay $0x3  }
0x34: {  	[smem:$0x3FB6] =	sst s10  }
0x35: {  	s10 =	sld [smem:$0x3FB5];
	_ =	sdelay $0x3  }
0x36: {  	p1 =	seq.s32 s10, $0x1;
	s10 =	sld [smem:$0x3FB6];
	_ =	sdelay $0x3  }
0x37: {  	[smem:$0x3FB6] =	sst s10  }
0x38: {  	s10 =	sld [smem:$0x3FB7]  }
0x39: {  	_ = 	snop;
	(pc) =	sbr.ind lr, $3  }
0x3a: {  	_ = 	snop  }
0x3b: {  	_ = 	snop  }
0x3c: {  	p2 =	seq.s32 s10, $0x1;
	s10 =	sld [smem:$0x3FB6]  }
0x3d: {  	_ =	shalt  }
0x3e: {  	_ =	shalt  }
0x3f: {  	_ =	shalt  }
0x40: {  	_ =	shalt  }
0x41: {  	_ =	shalt  }
0x42: {  	_ =	shalt  }
0x43: {  	_ =	shalt  }
0x44: {  	_ =	shalt  }
0x45: {  	_ =	shalt  }
0x46: {  	_ =	shalt  }
0x47: {  	_ =	shalt  }
0x48: {  	_ =	shalt  }
0x49: {  	_ =	shalt  }
0x4a: {  	_ =	shalt  }
0x4b: {  	_ =	shalt  }
0x4c: {  	_ =	shalt  }
0x4d: {  	_ =	shalt  }
0x4e: {  	_ =	shalt  }
0x4f: {  	_ =	shalt  }
0x50: {  	_ =	shalt  }
0x51: {  	_ =	shalt  }
0x52: {  	_ =	shalt  }
0x53: {  	_ =	shalt  }
0x54: {  	_ =	shalt  }
0x55: {  	_ =	shalt  }
0x56: {  	_ =	shalt  }
0x57: {  	_ =	shalt  }
0x58: {  	_ =	shalt  }
0x59: {  	_ =	shalt  }
0x5a: {  	_ =	shalt  }
0x5b: {  	_ =	shalt  }
0x5c: {  	_ =	shalt  }
0x5d: {  	_ =	shalt  }
0x5e: {  	_ =	shalt  }
0x5f: {  	_ =	shalt  }
0x60: {  	_ =	shalt  }
0x61: {  	_ =	shalt  }
0x62: {  	_ =	shalt  }
0x63: {  	_ =	shalt  }
0x64: {  	_ =	shalt  }
0x65: {  	_ =	shalt  }
0x66: {  	_ =	shalt  }
0x67: {  	_ =	shalt  }
0x68: {  	_ =	shalt  }
0x69: {  	_ =	shalt  }
0x6a: {  	_ =	shalt  }
0x6b: {  	_ =	shalt  }
0x6c: {  	_ =	shalt  }
0x6d: {  	_ =	shalt  }
0x6e: {  	_ =	shalt  }
0x6f: {  	_ =	shalt  }
0x70: {  	_ =	shalt  }
0x71: {  	_ =	shalt  }
0x72: {  	_ =	shalt  }
0x73: {  	_ =	shalt  }
0x74: {  	_ =	shalt  }
0x75: {  	_ =	shalt  }
0x76: {  	_ =	shalt  }
0x77: {  	_ =	shalt  }
0x78: {  	_ =	shalt  }
0x79: {  	_ =	shalt  }
0x7a: {  	_ =	shalt  }
0x7b: {  	_ =	shalt  }
0x7c: {  	_ =	shalt  }
0x7d: {  	_ =	shalt  }
0x7e: {  	_ =	shalt  }
0x7f: {  	_ =	shalt  }
0x80: {  	_ =	shalt  }
0x81: {  	_ =	shalt  }
0x82: {  	_ =	shalt  }
0x83: {  	_ =	shalt  }
0x84: {  	_ =	shalt  }
0x85: {  	_ =	shalt  }
0x86: {  	_ =	shalt  }
0x87: {  	_ =	shalt  }
.Lfunc_end0:
.L_simem_size_0:
called_computation.2_lowered:
.L_overlay_start_0:
0x88: {  	s2 =	sld [smem:$0x3FD9]  }
0x89: {  	s3 =	sld [smem:$0x3FFE];
	_ =	sdelay $0x1  }
0x8a: {  	s1 =	srdreg.scid  }
0x8b: {  	s0 =	sand.u32 $0x1, s1  }
0x8c: {  	s17 =	sshll.u32 s0, $0xA;
	s2 =	sadd.s32 s3, s2  }
0x8d: {  	s2 =	sadd.s32 s2, s17  }
0x8e: {  	[smem:$0x3FC2] =	sst s2  }
0x8f: {  	_ = 	snop  }
0x90: {  	s2 =	sld [smem:$0x3FD0];
	(tm) =	ssettm $0x1  }
0x91: {  	s18 =	sld [smem:$0x3FFB];
	_ =	sdelay $0x3  }
0x92: {  	_ =	strace s18  }
0x93: {  	s3 =	sld [smem:$0x3FFC];
	_ =	sdelay $0x3  }
0x94: {  	_ =	strace s3  }
0x95: {  	s3 =	sld [smem:$0x3FFD];
	_ =	sdelay $0x3  }
0x96: {  	_ =	strace s3  }
0x97: {  	_ =	strace $0x8FFFFFFF  }
0x98: {  	s19 =	sld [smem:$0x3FDB];
	_ =	sdelay $0x1  }
0x99: {  	s4 =	simm.s32 $_scs_section_size  }
0x9a: {  	s5 =	simm.s32 $_size__tile_overlayer_lowered;
	s6 =	simm.s32 $_tile_overlayer_lowered  }
0x9b: {  	s22 =	simm.s32 $0x1BFF;
	s21 =	sshll.u32 s6, $0x1;
	s3 =	sadd.s32 s4, s19  }
0x9c: {  	s7 =	simm.s32 $0x0;
	s20 =	sshll.u32 s5, $0x1;
	s5 =	sadd.s32 s21, s3  }
0x9d: {  	[timem:s7], [sflag:s22] =	dma.local [hbm:s5], s20  }
0x9e: {  	_ =	swait.ge [sflag:s22], s20  }
0x9f: {  	s4 =	ssub.s32 $0x0, s20;
	[sflag:s22] =	ssyncset.done $0x0  }
0xa0: {  	[sflag:s22] =	ssyncadd.s32 s4;
	_ =	sdelay $0x1  }
0xa1: {  	s23 =	simm.s32 $0x1B8B  }
0xa2: {  	_ =	swait.ge [sflag:s23], $0x1  }
0xa3: {  	[sflag:s23] =	ssyncset.done $0x0  }
0xa4: {  	s25 =	simm.s32 $0x1B8E;
	s24 =	sld [smem:$0x3FFE];
	[sflag:s23] =	ssyncadd.s32 $0xFFFFFFFF  }
0xa5: {  	s26 =	simm.s32 $execute0_lowered;
	[smem:$0x3FD2] =	sst s25  }
0xa6: {  	s5 =	sshll.u32 s26, $0x1;
	_ =	strace $0x8000004C;
	[dreg:$0x1] =	wrdreg $0xFFFFFFFF  }
0xa7: {  	s28 =	simm.s32 $_size_execute0_lowered;
	s3 =	sadd.s32 s3, s5;
	[dreg:$0x0] =	wrdreg $0x0  }
0xa8: {  	s5 =	sshll.u32 s28, $0x1;
	[dreg:$0x2] =	wrdreg s3  }
0xa9: {  	[dreg:$0x3] =	wrdreg s5  }
0xaa: {  	[dreg:$0x4] =	wrdreg $0xC0  }
0xab: {  	_ =	task [dreg:s7], $0x5FFFF  }
0xac: {  	[dreg:$0x1] =	wrdreg $0xFFFFFFFF  }
0xad: {  	[dreg:$0x0] =	wrdreg $0x60  }
0xae: {  	[dreg:$0x2] =	wrdreg s24  }
0xaf: {  	[dreg:$0x3] =	wrdreg s2  }
0xb0: {  	[dreg:$0x4] =	wrdreg $0x9  }
0xb1: {  	_ =	task.clear_ibuf [dreg:s7], $0x5FFFF;
	_ =	strace $0x9000004C  }
0xb2: {  	s29 =	simm.s32 $0x9;
	_ =	strace $0x8000004E  }
0xb3: {  	_ =	swait.ge [sflag:s29], $0x1  }
0xb4: {  	[sflag:s29] =	ssyncadd.s32 $0xFFFFFFFF  }
0xb5: {  	_ =	strace $0x9000004E  }
0xb6: {  	_ =	sfence  }
0xb7: {  	s30 =	sld [smem:$0x0];
	_ =	sdelay $0x2  }
0xb8: {  	s31 =	sshll.u32 s1, $0xD;
	s1 =	sshrl.u32 s1, $0x2  }
0xb9: {  	s3 =	sand.u32 $0x4000, s31;
	s1 =	sadd.s32 s1, s30  }
0xba: {  	s0 =	sor.u32 s3, s0;
	s1 =	sshll.u32 s1, $0x11  }
0xbb: {  	s0 =	sor.u32 s1, s0  }
0xbc: {  	s0 =	sadd.s32 $0x8F2B, s0  }
0xbd: {  	[sflag:s0] =	ssyncadd.remote.s32 $0x1  }
0xbe: {  	_ =	sfence.sel $0xFFFF  }
0xbf: {  	[dreg:$0x0] =	wrdreg $0xFFFFFFFF;
	(pc) =	sbr.abs _section_cstart, $3  }
0xc0: {  	[dreg:$0x1] =	wrdreg $0xFFFFFFFF  }
0xc1: {  	_ =	task.clear_ibuf [dreg:s7], $0x2FFFF;
	_ =	strace $0x9FFFFFFF  }
0xc2: {  	(tm) =	ssettm $0x7FFFFFFF  }
0xc3: {  	_ =	shalt  }
tec
execute0_lowered:
.L_overlay_start_1:
0x0: {  	(tag) =	ssettag $0x1  }
0x1: {  	s0 =	rddreg [dreg:$0x0];
	s1 =	simm.s32 $0x0;
	s25 =	srdreg.scid  }
0x2: {  	s6 =	stileid.u32;
	s11 =	simm.s32 $0x3;
	s28 =	simm.s32 $0x7100  }
0x3: {  	s29 =	simm.s32 $0x7900;
	s30 =	simm.s32 $0x8100;
	s31 =	simm.s32 $0x8900  }
0x4: {  	s10 =	simm.s32 $0xA100;
	s12 =	simm.s32 $0xB900;
	s13 =	simm.s32 $0x1  }
0x5: {  	s14 =	simm.s32 $0x2;
	s15 =	simm.s32 $0xC100;
	s17 =	simm.s32 $0x0  }
0x6: {  	[smem:$0x7FF] =	sst s1;
	s4 =	sadd.s32 $0xC1000, s0;
	s1 =	sand.u32 $0x1, s25  }
0x7: {  	s5 =	sadd.s32 $0xC0E00, s0;
	s7 =	sshll.u32 s6, $0x5;
	s6 =	sadd.s32 $0xC0C00, s0  }
0x8: {  	s8 =	sadd.s32 $0xC1100, s0;
	s9 =	sadd.s32 $0xC1200, s0;
	s2 =	ssub.s32 $0x2, s1  }
0x9: {  	s0 =	simm.s32 $0x9100;
	s1 =	sshll.u32 s1, $0x4;
	s3 =	sshrl.u32 s2, $0x1  }
0xa: {  	v2 =	vlaneseq.u32;
	_ =	strace $0x8000004D;
	s7 =	sor.u32 s1, s7;
	s2 =	ssub.s32 s2, s3  }
0xb: {  	vm0 =	vmmov $0xffff;
	v1 =	vshrl.u32 v2, $0x3;
	s1 =	simm.s32 $0xA900;
	s3 =	simm.s32 $0x9900;
	s26 =	smax.u32 s2, $0x1  }
0xc: {  	v0 =	vand.u32 $0x7, v2;
	v2 =	vor.u32 $0x8, v2;
	v1 =	vmul.u32 $0x8, v1;
	s2 =	simm.s32 $0xB100;
	[dreg:$0x3] =	wrdreg s26;
	s26 =	simm.s32 $0x6900  }
.LBB2_1:
0xd: {  	[dreg:$0x4] =	wrdreg s17;
	s16 =	simm.s32 $0x0  }
.LBB2_2:
0xe: {  	s17 =	sshll.u32 s16, $0x2  }
0xf: {  	s17 =	sadd.s32 s7, s17  }
0x10: {  	s18 =	simm.s32 $0x0;
	s19 =	sadd.s32 s5, s17  }
0x11: {  	[tilespmem:s18], [sflag:$0x3] =	stream.linear.gather [hbm4b:s19+s18], $0x20, $0x38;
	[tilespmem:$0x12100] =	vst v63  }
0x12: {  	_ =	swait.ge [sflag:s11], $0x20  }
0x13: {  	[sflag:s11] =	ssyncset.done $0x0  }
0x14: {  	s20 =	simm.s32 $0x80;
	s24 =	sadd.s32 s6, s17;
	[sflag:s11] =	ssyncadd.s32 $0xFFFFFFE0  }
0x15: {  	[tilespmem:s20], [sflag:$0x3] =	stream.linear.gather [hbm4b:s24+s18], $0x20, $0x38;
	[tilespmem:$0x12100] =	vst v63  }
0x16: {  	_ =	swait.ge [sflag:s11], $0x20  }
0x17: {  	[sflag:s11] =	ssyncset.done $0x0  }
0x18: {  	[sflag:s11] =	ssyncadd.s32 $0xFFFFFFE0  }
0x19: {  	v3 =	vld [tilespmem:$0x0];
	_ =	sdelay $0x4  }
0x1a: {  	v4 =	vshrl.u32 v3, $0x3  }
0x1b: {  	v4 =	vmul.u32 $0x30, v4  }
0x1c: {  	v3 =	vand.u32 $0x7, v3  }
0x1d: {  	v3 =	vor.u32 v3, v4  }
0x1e: {  	v4 =	vperm.xlane v3, v0;
	_ =	sdelay $0x1  }
0x1f: {  	v4 =	vadd.s32 v1, v4;
	_ =	sdelay $0x3  }
0x20: {  	s25 =	simm.s32 $0x100;
	v3 =	vperm.xlane v3, v2  }
0x21: {  	[tilespmem:s25], [sflag:$0x1] =	stream.indirect_vreg.gather [hbm4b:s4+s18], $0x80, v4, vm0, $0xb8;
	[tilespmem:$0x12100] =	vst v63  }
0x22: {  	s20 =	simm.s32 $0x900;
	v3 =	vadd.s32 v1, v3  }
0x23: {  	[tilespmem:s20], [sflag:$0x1] =	stream.indirect_vreg.gather [hbm4b:s8+s18], $0x80, v4, vm0, $0xb8;
	[tilespmem:$0x12100] =	vst v63  }
0x24: {  	s21 =	simm.s32 $0x1100  }
0x25: {  	[tilespmem:s21], [sflag:$0x1] =	stream.indirect_vreg.gather [hbm4b:s9+s18], $0x80, v4, vm0, $0xb8;
	[tilespmem:$0x12100] =	vst v63  }
0x26: {  	s22 =	simm.s32 $0x1900  }
0x27: {  	[tilespmem:s22], [sflag:$0x1] =	stream.indirect_vreg.gather [hbm4b:s4+s18], $0x80, v3, vm0, $0xb8;
	[tilespmem:$0x12100] =	vst v63  }
0x28: {  	s23 =	simm.s32 $0x2100  }
0x29: {  	[tilespmem:s23], [sflag:$0x1] =	stream.indirect_vreg.gather [hbm4b:s8+s18], $0x80, v3, vm0, $0xb8;
	[tilespmem:$0x12100] =	vst v63  }
0x2a: {  	s24 =	simm.s32 $0x2900  }
0x2b: {  	[tilespmem:s24], [sflag:$0x1] =	stream.indirect_vreg.gather [hbm4b:s9+s18], $0x80, v3, vm0, $0xb8;
	[tilespmem:$0x12100] =	vst v63  }
0x2c: {  	v3 =	vld [tilespmem:$0x10];
	_ =	sdelay $0x4  }
0x2d: {  	v61 =	vshrl.u32 v3, $0x3  }
0x2e: {  	v4 =	vmul.u32 $0x30, v61  }
0x2f: {  	v3 =	vand.u32 $0x7, v3  }
0x30: {  	v3 =	vor.u32 v3, v4  }
0x31: {  	v4 =	vperm.xlane v3, v0;
	_ =	sdelay $0x1  }
0x32: {  	v4 =	vadd.s32 v1, v4;
	_ =	sdelay $0x3  }
0x33: {  	s25 =	simm.s32 $0x3100;
	v3 =	vperm.xlane v3, v2  }
0x34: {  	[tilespmem:s25], [sflag:$0x1] =	stream.indirect_vreg.gather [hbm4b:s4+s18], $0x80, v4, vm0, $0xb8;
	[tilespmem:$0x12100] =	vst v63  }
0x35: {  	s20 =	simm.s32 $0x3900;
	v3 =	vadd.s32 v1, v3  }
0x36: {  	[tilespmem:s20], [sflag:$0x1] =	stream.indirect_vreg.gather [hbm4b:s8+s18], $0x80, v4, vm0, $0xb8;
	[tilespmem:$0x12100] =	vst v63  }
0x37: {  	s21 =	simm.s32 $0x4100  }
0x38: {  	[tilespmem:s21], [sflag:$0x1] =	stream.indirect_vreg.gather [hbm4b:s9+s18], $0x80, v4, vm0, $0xb8;
	[tilespmem:$0x12100] =	vst v63  }
0x39: {  	s22 =	simm.s32 $0x4900  }
0x3a: {  	[tilespmem:s22], [sflag:$0x1] =	stream.indirect_vreg.gather [hbm4b:s4+s18], $0x80, v3, vm0, $0xb8;
	[tilespmem:$0x12100] =	vst v63  }
0x3b: {  	s23 =	simm.s32 $0x5100  }
0x3c: {  	[tilespmem:s23], [sflag:$0x1] =	stream.indirect_vreg.gather [hbm4b:s8+s18], $0x80, v3, vm0, $0xb8;
	[tilespmem:$0x12100] =	vst v63  }
0x3d: {  	s24 =	simm.s32 $0x5900  }
0x3e: {  	[tilespmem:s24], [sflag:$0x1] =	stream.indirect_vreg.gather [hbm4b:s9+s18], $0x80, v3, vm0, $0xb8;
	[tilespmem:$0x12100] =	vst v63  }
0x3f: {  	v3 =	vld [tilespmem:$0x80];
	_ =	sdelay $0x4  }
0x40: {  	v62 =	vshrl.u32 v3, $0x3  }
0x41: {  	v4 =	vmul.u32 $0x30, v62  }
0x42: {  	v3 =	vand.u32 $0x7, v3  }
0x43: {  	v3 =	vor.u32 v3, v4  }
0x44: {  	v4 =	vperm.xlane v3, v0;
	_ =	sdelay $0x1  }
0x45: {  	v4 =	vadd.s32 v1, v4;
	_ =	sdelay $0x3  }
0x46: {  	s25 =	simm.s32 $0x6100;
	v3 =	vperm.xlane v3, v2  }
0x47: {  	[tilespmem:s25], [sflag:$0x2] =	stream.indirect_vreg.gather [hbm4b:s4+s18], $0x80, v4, vm0, $0xb8;
	[tilespmem:$0x12100] =	vst v63  }
0x48: {  	v3 =	vadd.s32 v1, v3  }
0x49: {  	[tilespmem:s26], [sflag:$0x2] =	stream.indirect_vreg.gather [hbm4b:s8+s18], $0x80, v4, vm0, $0xb8;
	[tilespmem:$0x12100] =	vst v63  }
0x4a: {  	_ = 	snop  }
0x4b: {  	[tilespmem:s28], [sflag:$0x2] =	stream.indirect_vreg.gather [hbm4b:s9+s18], $0x80, v4, vm0, $0xb8;
	[tilespmem:$0x12100] =	vst v63  }
0x4c: {  	_ = 	snop  }
0x4d: {  	[tilespmem:s29], [sflag:$0x2] =	stream.indirect_vreg.gather [hbm4b:s4+s18], $0x80, v3, vm0, $0xb8;
	[tilespmem:$0x12100] =	vst v63  }
0x4e: {  	_ = 	snop  }
0x4f: {  	[tilespmem:s30], [sflag:$0x2] =	stream.indirect_vreg.gather [hbm4b:s8+s18], $0x80, v3, vm0, $0xb8;
	[tilespmem:$0x12100] =	vst v63  }
0x50: {  	_ = 	snop  }
0x51: {  	[tilespmem:s31], [sflag:$0x2] =	stream.indirect_vreg.gather [hbm4b:s9+s18], $0x80, v3, vm0, $0xb8;
	[tilespmem:$0x12100] =	vst v63  }
0x52: {  	v3 =	vld [tilespmem:$0x90];
	_ =	sdelay $0x4  }
0x53: {  	v63 =	vshrl.u32 v3, $0x3  }
0x54: {  	v4 =	vmul.u32 $0x30, v63  }
0x55: {  	v3 =	vand.u32 $0x7, v3  }
0x56: {  	v3 =	vor.u32 v3, v4  }
0x57: {  	v4 =	vperm.xlane v3, v0;
	_ =	sdelay $0x1  }
0x58: {  	v4 =	vadd.s32 v1, v4;
	_ =	sdelay $0x3  }
0x59: {  	v3 =	vperm.xlane v3, v2  }
0x5a: {  	[tilespmem:s0], [sflag:$0x2] =	stream.indirect_vreg.gather [hbm4b:s4+s18], $0x80, v4, vm0, $0xb8;
	[tilespmem:$0x12100] =	vst v63  }
0x5b: {  	v3 =	vadd.s32 v1, v3  }
0x5c: {  	[tilespmem:s3], [sflag:$0x2] =	stream.indirect_vreg.gather [hbm4b:s8+s18], $0x80, v4, vm0, $0xb8;
	[tilespmem:$0x12100] =	vst v63  }
0x5d: {  	_ = 	snop  }
0x5e: {  	[tilespmem:s10], [sflag:$0x2] =	stream.indirect_vreg.gather [hbm4b:s9+s18], $0x80, v4, vm0, $0xb8;
	[tilespmem:$0x12100] =	vst v63  }
0x5f: {  	_ = 	snop  }
0x60: {  	[tilespmem:s1], [sflag:$0x2] =	stream.indirect_vreg.gather [hbm4b:s4+s18], $0x80, v3, vm0, $0xb8;
	[tilespmem:$0x12100] =	vst v63  }
0x61: {  	_ = 	snop  }
0x62: {  	[tilespmem:s2], [sflag:$0x2] =	stream.indirect_vreg.gather [hbm4b:s8+s18], $0x80, v3, vm0, $0xb8;
	[tilespmem:$0x12100] =	vst v63  }
0x63: {  	_ = 	snop  }
0x64: {  	[tilespmem:s12], [sflag:$0x2] =	stream.indirect_vreg.gather [hbm4b:s9+s18], $0x80, v3, vm0, $0xb8;
	[tilespmem:$0x12100] =	vst v63  }
0x65: {  	_ =	swait.ge [sflag:s13], $0x6000  }
0x66: {  	[sflag:s13] =	ssyncset.done $0x0  }
0x67: {  	[sflag:s13] =	ssyncadd.s32 $0xFFFFA000  }
0x68: {  	_ =	swait.ge [sflag:s14], $0x6000  }
0x69: {  	[sflag:s14] =	ssyncset.done $0x0  }
0x6a: {  	s19 =	simm.s32 $0x0;
	[sflag:s14] =	ssyncadd.s32 $0xFFFFA000  }
.LBB2_3:
0x6b: {  	s20 =	sshrl.u32 s19, $0x3  }
0x6c: {  	s21 =	sshll.u32 s19, $0x7;
	s20 =	smul.u32 $0x1800, s20  }
0x6d: {  	s21 =	sand.u32 $0x380, s21  }
0x6e: {  	s25 =	sand.u32 $0x1C00, s18;
	s20 =	sor.u32 s21, s20  }
0x6f: {  	s22 =	sand.u32 $0x70, s18;
	s21 =	sadd.s32 s20, s25  }
0x70: {  	s21 =	sor.u32 s22, s21  }
0x71: {  	v3 =	vld [tilespmem:s21+$0x100]  }
0x72: {  	v4 =	vld [tilespmem:s21+$0x6100]  }
0x73: {  	s23 =	simm.s32 $0x80;
	s22 =	simm.s32 $0x10  }
.LBB2_4:
0x74: {  	s24 =	sand.u32 $0x70, s22;
	s25 =	sand.u32 $0x1C00, s23;
	p0 =	sne.s32 s22, $0x2F0  }
.Ltmp0:
0x75: {  	s22 =	sadd.s32 $0x10, s22;
	s25 =	sadd.s32 s20, s25;
	(pc) =	sbr.rel @p0 .LBB2_4-.Ltmp0, $4  }
0x76: {  	s24 =	sor.u32 s24, s25  }
0x77: {  	v5 =	vadd.f32 v4, v3;
	v3 =	vld [tilespmem:s24+$0x100]  }
0x78: {  	v4 =	vld [tilespmem:s24+$0x6100]  }
0x79: {  	s23 =	sadd.s32 $0x80, s23;
	[tilespmem:s21+$0xC100] =	vst v5;
	s21 =	smov.u32 s24  }
0x7a: {  	s19 =	sadd.s32 $0x1, s19  }
0x7b: {  	p0 =	sne.s32 s19, $0x20  }
.Ltmp1:
0x7c: {  	_ = 	snop;
	(pc) =	sbr.rel @p0 .LBB2_3-.Ltmp1, $3  }
0x7d: {  	_ = 	snop  }
0x7e: {  	v3 =	vadd.f32 v4, v3;
	_ =	sdelay $0x1  }
0x7f: {  	[tilespmem:s21+$0xC100] =	vst v3  }
0x80: {  	s17 =	smul.u32 $0x300, s17;
	s16 =	sadd.s32 $0x1, s16  }
0x81: {  	s18 =	rddreg [dreg:$0x1];
	p0 =	sne.s32 s16, $0x4  }
.Ltmp2:
0x82: {  	s25 =	simm.s32 $0x0;
	s17 =	sadd.s32 s18, s17;
	(pc) =	sbr.rel @p0 .LBB2_2-.Ltmp2, $4  }
0x83: {  	[hbm4b:s17+s25] =	stream.linear.scatter [tilespmem:s15], [sflag:$0x3], $0x6000, $0x38;
	[tilespmem:$0x12100] =	vst v63  }
0x84: {  	_ =	swait.ge [sflag:s11], $0x6000  }
0x85: {  	[sflag:s11] =	ssyncset.done $0x0  }
0x86: {  	[sflag:s11] =	ssyncadd.s32 $0xFFFFA000  }
0x87: {  	s17 =	rddreg [dreg:$0x4]  }
0x88: {  	s16 =	rddreg [dreg:$0x3];
	s17 =	sadd.s32 $0x1, s17  }
0x89: {  	p0 =	sne.s32 s17, s16  }
.Ltmp3:
0x8a: {  	_ = 	snop;
	(pc) =	sbr.rel @p0 .LBB2_1-.Ltmp3, $1  }
0x8b: {  	_ =	sdelay $0x3  }
0x8c: {  	_ =	sfence.sel $0x180000  }
0x8d: {  	[bflag:$0x0] =	sbarrier.arrive $0xFFFF  }
0x8e: {  	_ =	strace $0x9000004D  }
0x8f: {  	s0 =	stileid.u32;
	[bflag:$0x2] =	sbarrier.arrive $0xFFFF  }
0x90: {  	p0 =	sne.s32 s0, $0x0;
	s0 =	rddreg [dreg:$0x2]  }
0x91: {  	s0 =	sadd.s32 @!p0 $0x100000, s0  }
0x92: {  	[sflag:s0] =	ssyncadd.tile.s32 @!p0 $0x1;
	_ =	shalt  }
.Lfunc_end2:
_tile_overlayer_lowered:
.L_overlay_start_2:
0x93: {  	(tag) =	ssettag $0x2  }
0x94: {  	s0 =	rddreg [dreg:$0x0];
	s2 =	stileid.u32  }
0x95: {  	s1 =	rddreg [dreg:$0x1];
	p0 =	sne.s32 s2, $0x0  }
0x96: {  	s3 =	rddreg [dreg:$0x2];
	[bflag:$0x3] =	sbarrier.arrive $0xFFFF;
	s2 =	simm.s32 @!p0 $0x1C03  }
0x97: {  	[timem:s3], [sflag:s2] =	dma.local @!p0 [hbm:s0], s1  }
0x98: {  	s0 =	simm.s32 @!p0 $0x3  }
0x99: {  	_ =	swait.ge @!p0 [sflag:s0], s1  }
0x9a: {  	s1 =	ssub.s32 @!p0 $0x0, s1;
	[sflag:s0] =	ssyncset.done @!p0 $0x0  }
0x9b: {  	[sflag:s0] =	ssyncadd.s32 @!p0 s1  }
0x9c: {  	[bflag:$0x3] =	sbarrier.arrive $0xFFFF  }
0x9d: {  	_ =	shalt  }

</sc_bundles>
